<compile_context>
chip_gen: v7x
topology: tpu7x:2x2x1
jax: 0.10.2.dev20260603
libtpu: 0.0.44.dev20260713+nightly
codegen_flags: <defaults>
</compile_context>

<pallas_src>
import functools

import jax
import jax.numpy as jnp
from jax import lax
from jax.experimental import pallas as pl
from jax.experimental.pallas import tpu as pltpu
from jax.experimental.pallas import tpu_sc as plsc

_BQ = 8192


def _bf16_round_bits(u):
    return (u + jnp.uint32(0x8000)) >> 16


def _tc_repack(tableT):
    D, V = tableT.shape
    nblk = (V + 4 * _BQ - 1) // (4 * _BQ)
    R_rows = nblk * _BQ

    def body(t_ref, out_ref):
        blk = t_ref[...]

        def halfpack(lo_slice, hi_slice):
            tl = jnp.transpose(lo_slice)
            th = jnp.transpose(hi_slice)
            bl = _bf16_round_bits(jax.lax.bitcast_convert_type(tl, jnp.uint32))
            bh = _bf16_round_bits(jax.lax.bitcast_convert_type(th, jnp.uint32))
            return jax.lax.bitcast_convert_type(bl | (bh << 16), jnp.int32)

        out_ref[:, :D] = halfpack(blk[:, :_BQ], blk[:, _BQ:2 * _BQ])
        out_ref[:, D:] = halfpack(blk[:, 2 * _BQ:3 * _BQ], blk[:, 3 * _BQ:])

    return pl.pallas_call(
        body,
        grid=(nblk,),
        in_specs=[pl.BlockSpec((D, 4 * _BQ), lambda j: (0, j))],
        out_specs=pl.BlockSpec((_BQ, 2 * D), lambda j: (j, 0)),
        out_shape=jax.ShapeDtypeStruct((R_rows, 2 * D), jnp.int32),
    )(tableT)


def _sc_gather(idx_flat, table2):
    V2, D2 = table2.shape
    N = idx_flat.shape[0]
    info = plsc.get_sparse_core_info()
    NC, NS = info.num_cores, info.num_subcores
    NW = NC * NS
    per_w = N // NW
    CH = 256
    n_ch = per_w // CH
    mesh = plsc.VectorSubcoreMesh(core_axis_name="c", subcore_axis_name="s")

    @functools.partial(
        pl.kernel,
        mesh=mesh,
        out_type=jax.ShapeDtypeStruct((N, D2), jnp.int32),
        scratch_types=[
            pltpu.VMEM((per_w,), jnp.int32),
            pltpu.VMEM((CH, D2), jnp.int32),
            pltpu.VMEM((CH, D2), jnp.int32),
            pltpu.SemaphoreType.DMA,
            pltpu.SemaphoreType.DMA,
            pltpu.SemaphoreType.DMA,
            pltpu.SemaphoreType.DMA,
        ],
    )
    def gather_k(idx_hbm, table_hbm, out_hbm, idx_v, r0, r1, g0, g1, w0, w1):
        wid = lax.axis_index("s") * NC + lax.axis_index("c")
        base = wid * per_w
        pltpu.sync_copy(idx_hbm.at[pl.ds(base, per_w)], idx_v)
        rows = (r0, r1)
        gsem = (g0, g1)
        wsem = (w0, w1)
        pltpu.async_copy(table_hbm.at[idx_v.at[pl.ds(0, CH)]], r0, g0)
        for i in range(n_ch):
            p = i % 2
            if i + 1 < n_ch:
                if i >= 1:
                    pltpu.make_async_copy(
                        rows[1 - p],
                        out_hbm.at[pl.ds(base + (i - 1) * CH, CH)],
                        wsem[1 - p],
                    ).wait()
                pltpu.async_copy(
                    table_hbm.at[idx_v.at[pl.ds((i + 1) * CH, CH)]],
                    rows[1 - p], gsem[1 - p],
                )
            pltpu.make_async_copy(
                table_hbm.at[idx_v.at[pl.ds(i * CH, CH)]], rows[p], gsem[p]
            ).wait()
            pltpu.async_copy(
                rows[p], out_hbm.at[pl.ds(base + i * CH, CH)], wsem[p]
            )
        for i in range(max(n_ch - 2, 0), n_ch):
            p = i % 2
            pltpu.make_async_copy(
                rows[p], out_hbm.at[pl.ds(base + i * CH, CH)], wsem[p]
            ).wait()

    return gather_k(idx_flat, table2)


def _tc_mlp(emb3, sel, W1, b1, W2, b2):
    B, L, D2 = emb3.shape
    D = D2 // 2
    H = W1.shape[1]
    E = W2.shape[1]
    SB = 256
    grid = (B // SB,)

    def body(emb_ref, sel_ref, w1_ref, b1_ref, w2_ref, b2_ref, out_ref):
        w1 = w1_ref[...]
        acc = None
        for l in range(L):
            lo = emb_ref[:, l, :D]
            hi = emb_ref[:, l, D:]
            s = sel_ref[:, l].reshape(lo.shape[0], 1)
            w = jnp.where(s >= 2, hi, lo)
            wb = jax.lax.bitcast_convert_type(w, jnp.uint32)
            odd = (s & 1) == 1
            bits = jnp.where(odd, wb & jnp.uint32(0xFFFF0000), wb << 16)
            e = jax.lax.bitcast_convert_type(bits, jnp.float32)
            z = jnp.dot(e, w1, preferred_element_type=jnp.float32)
            acc = z if acc is None else jnp.maximum(acc, z)
        h = jnp.maximum(acc + b1_ref[...], 0.0)
        out_ref[...] = (
            jnp.dot(h, w2_ref[...], preferred_element_type=jnp.float32) + b2_ref[...]
        )

    return pl.pallas_call(
        body,
        grid=grid,
        in_specs=[
            pl.BlockSpec((SB, L, D2), lambda i: (i, 0, 0)),
            pl.BlockSpec((SB, L), lambda i: (i, 0)),
            pl.BlockSpec((D, H), lambda i: (0, 0)),
            pl.BlockSpec((1, H), lambda i: (0, 0)),
            pl.BlockSpec((H, E), lambda i: (0, 0)),
            pl.BlockSpec((1, E), lambda i: (0, 0)),
        ],
        out_specs=pl.BlockSpec((SB, E), lambda i: (i, 0)),
        out_shape=jax.ShapeDtypeStruct((B, E), jnp.float32),
    )(emb3, sel, W1, b1.reshape(1, H), W2, b2.reshape(1, E))


def kernel(x, table, W1, b1, W2, b2):
    B, L = x.shape
    V, D = table.shape
    R = _tc_repack(table.T)
    idx = x.reshape(-1).astype(jnp.int32)
    j = idx // (4 * _BQ)
    q = idx % (4 * _BQ)
    row = j * _BQ + (q % _BQ)
    sel = (q // _BQ).reshape(B, L)
    NS_ = 4
    Bh = B // NS_
    Nh = Bh * L
    embs = [_sc_gather(row[k * Nh:(k + 1) * Nh], R) for k in range(NS_)]
    outs = [
        _tc_mlp(e.reshape(Bh, L, 2 * D), sel[k * Bh:(k + 1) * Bh],
                W1, b1, W2, b2)
        for k, e in enumerate(embs)
    ]
    return jnp.concatenate(outs, axis=0)

# --- scband reference (transcript-rebuilt; emitter-appended) ---
"""Pipeline reference for scband-sentence-embedding-12068858101886 (READ-ONLY COPY).

The authoritative reference and input builder live on the scoring server;
editing this copy changes nothing except your own understanding.
"""

import jax, jax.numpy as jnp
import numpy as np


def setup_inputs(seed: int = 0) -> dict:
    key = jax.random.key(seed)
    ks = jax.random.split(key, 6)
    B, L = 4096, 16
    V, D = 1000000, 64
    H, E = 512, 128
    x = jax.random.randint(ks[0], (B, L), 0, V)
    table = jax.random.normal(ks[1], (V, D), dtype=jnp.float32) * 0.02
    W1 = jax.random.normal(ks[2], (D, H), dtype=jnp.float32) * (1.0 / np.sqrt(D))
    b1 = jnp.zeros((H,), dtype=jnp.float32)
    W2 = jax.random.normal(ks[3], (H, E), dtype=jnp.float32) * (1.0 / np.sqrt(H))
    b2 = jnp.zeros((E,), dtype=jnp.float32)
    return {"x": x, "table": table, "W1": W1, "b1": b1, "W2": W2, "b2": b2}


def reference(x, table, W1, b1, W2, b2):
    # word_embd lookup: [B, L] -> [B, L, D]
    emb = jnp.take(table, x, axis=0)
    # fc1 + relu: [B, L, H]
    h = jax.nn.relu(emb @ W1 + b1)
    # max-pool over words (th.max(x, dim=1)[0]): [B, H]
    m = jnp.max(h, axis=1)
    # fc2: [B, E]
    out = m @ W2 + b2
    return out

if __name__ == "__main__":
    import jax
    _d = setup_inputs()
    print(jax.jit(kernel)(*tuple(_d.values())))

</pallas_src>

<mosaic_0001>
#map = affine_map<(d0, d1) -> (0)>
#map1 = affine_map<(d0, d1) -> (0, 0)>
module attributes {stable_mosaic.version = 14 : i64} {
  func.func @gather_k(%arg0: i32, %arg1: i32, %arg2: memref<16384xi32, #tpu.memory_space<hbm>>, %arg3: memref<253952x128xi32, #tpu.memory_space<hbm>>, %arg4: memref<16384x128xi32, #tpu.memory_space<hbm>>, %arg5: memref<512xi32, #tpu.memory_space<vmem>>, %arg6: memref<256x128xi32, #tpu.memory_space<vmem>>, %arg7: memref<256x128xi32, #tpu.memory_space<vmem>>, %arg8: memref<!tpu.dma_semaphore, #tpu.memory_space<semaphore_mem>>, %arg9: memref<!tpu.dma_semaphore, #tpu.memory_space<semaphore_mem>>, %arg10: memref<!tpu.dma_semaphore, #tpu.memory_space<semaphore_mem>>, %arg11: memref<!tpu.dma_semaphore, #tpu.memory_space<semaphore_mem>>) attributes {dimension_semantics = [#tpu.dimension_semantics<core_parallel>, #tpu.dimension_semantics<subcore_parallel>], iteration_bounds = array<i64: 2, 16>, scalar_prefetch = 0 : i64, scratch_operands = 7 : i64, tpu.core_type = #tpu.core_type<sc_vector_subcore>, window_params = [{transform_indices = #map}, {transform_indices = #map1}, {transform_indices = #map1}]} {
    %mul3A = arith.constant 2 : i32
    %mul3A_0 = arith.muli %arg1, %mul3A : i32
    %add3A = arith.addi %mul3A_0, %arg0 : i32
    %mul3A_1 = arith.constant 512 : i32
    %mul3A_2 = arith.muli %add3A, %mul3A_1 : i32
    "tpu.region"() ({
      %run_scoped3A = tpu.sem_alloc : memref<!tpu.dma_semaphore, #tpu.memory_space<semaphore_mem>>
      %dma_start3A_45 = tpu.memref_slice %arg2[%mul3A_2] : memref<16384xi32, #tpu.memory_space<hbm>> -> memref<512xi32, #tpu.memory_space<hbm>>
      %dma_start3A_46 = tpu.memref_slice %arg2[%mul3A_2] : memref<16384xi32, #tpu.memory_space<hbm>> -> memref<512xi32, #tpu.memory_space<hbm>>
      tpu.enqueue_dma source(%dma_start3A_46 : memref<512xi32, #tpu.memory_space<hbm>>) target(%arg5 : memref<512xi32, #tpu.memory_space<vmem>>) target_semaphore(%run_scoped3A : memref<!tpu.dma_semaphore, #tpu.memory_space<semaphore_mem>>)
      %dma_wait3A_47 = tpu.memref_slice %arg2[%mul3A_2] : memref<16384xi32, #tpu.memory_space<hbm>> -> memref<512xi32, #tpu.memory_space<hbm>>
      %dma_wait3A_48 = tpu.memref_slice %arg2[%mul3A_2] : memref<16384xi32, #tpu.memory_space<hbm>> -> memref<512xi32, #tpu.memory_space<hbm>>
      tpu.wait_dma2 semaphore(%run_scoped3A : memref<!tpu.dma_semaphore, #tpu.memory_space<semaphore_mem>>) src(%dma_wait3A_48 : memref<512xi32, #tpu.memory_space<hbm>>) dst(%arg5 : memref<512xi32, #tpu.memory_space<vmem>>)
      tpu.yield
    }) : () -> ()
    %dma_start3A = arith.constant 0 : i32
    %dma_start3A_3 = tpu.memref_slice %arg5[%dma_start3A] : memref<512xi32, #tpu.memory_space<vmem>> -> memref<256xi32, #tpu.memory_space<vmem>>
    %dma_start3A_4 = arith.constant 0 : i32
    %dma_start3A_5 = arith.constant 0 : i32
    %dma_start3A_6 = tpu.memref_slice %arg3[%dma_start3A_4, %dma_start3A_5] : memref<253952x128xi32, #tpu.memory_space<hbm>> -> memref<253952x128xi32, #tpu.memory_space<hbm>>
    tpu.enqueue_indirect_dma source(%dma_start3A_6 : memref<253952x128xi32, #tpu.memory_space<hbm>>) target(%arg6 : memref<256x128xi32, #tpu.memory_space<vmem>>) offsets(%dma_start3A_3 : memref<256xi32, #tpu.memory_space<vmem>>) semaphore(%arg8 : memref<!tpu.dma_semaphore, #tpu.memory_space<semaphore_mem>>)
    %dma_start3A_7 = arith.constant 256 : i32
    %dma_start3A_8 = tpu.memref_slice %arg5[%dma_start3A_7] : memref<512xi32, #tpu.memory_space<vmem>> -> memref<256xi32, #tpu.memory_space<vmem>>
    %dma_start3A_9 = arith.constant 0 : i32
    %dma_start3A_10 = arith.constant 0 : i32
    %dma_start3A_11 = tpu.memref_slice %arg3[%dma_start3A_9, %dma_start3A_10] : memref<253952x128xi32, #tpu.memory_space<hbm>> -> memref<253952x128xi32, #tpu.memory_space<hbm>>
    tpu.enqueue_indirect_dma source(%dma_start3A_11 : memref<253952x128xi32, #tpu.memory_space<hbm>>) target(%arg7 : memref<256x128xi32, #tpu.memory_space<vmem>>) offsets(%dma_start3A_8 : memref<256xi32, #tpu.memory_space<vmem>>) semaphore(%arg9 : memref<!tpu.dma_semaphore, #tpu.memory_space<semaphore_mem>>)
    %dma_wait3A = arith.constant 0 : i32
    %dma_wait3A_12 = tpu.memref_slice %arg5[%dma_wait3A] : memref<512xi32, #tpu.memory_space<vmem>> -> memref<256xi32, #tpu.memory_space<vmem>>
    %dma_wait3A_13 = arith.constant 0 : i32
    %dma_wait3A_14 = arith.constant 0 : i32
    %dma_wait3A_15 = tpu.memref_slice %arg3[%dma_wait3A_13, %dma_wait3A_14] : memref<253952x128xi32, #tpu.memory_space<hbm>> -> memref<253952x128xi32, #tpu.memory_space<hbm>>
    tpu.wait_indirect_dma semaphore(%arg8 : memref<!tpu.dma_semaphore, #tpu.memory_space<semaphore_mem>>) src(%dma_wait3A_15 : memref<253952x128xi32, #tpu.memory_space<hbm>>) dst(%arg6 : memref<256x128xi32, #tpu.memory_space<vmem>>)
    %add3A_16 = arith.constant 0 : i32
    %add3A_17 = arith.addi %mul3A_2, %add3A_16 : i32
    %dma_start3A_18 = arith.constant 0 : i32
    %dma_start3A_19 = tpu.memref_slice %arg4[%add3A_17, %dma_start3A_18] : memref<16384x128xi32, #tpu.memory_space<hbm>> -> memref<256x128xi32, #tpu.memory_space<hbm>>
    %dma_start3A_20 = arith.constant 0 : i32
    %dma_start3A_21 = tpu.memref_slice %arg4[%add3A_17, %dma_start3A_20] : memref<16384x128xi32, #tpu.memory_space<hbm>> -> memref<256x128xi32, #tpu.memory_space<hbm>>
    tpu.enqueue_dma source(%arg6 : memref<256x128xi32, #tpu.memory_space<vmem>>) target(%dma_start3A_21 : memref<256x128xi32, #tpu.memory_space<hbm>>) target_semaphore(%arg10 : memref<!tpu.dma_semaphore, #tpu.memory_space<semaphore_mem>>)
    %dma_wait3A_22 = arith.constant 256 : i32
    %dma_wait3A_23 = tpu.memref_slice %arg5[%dma_wait3A_22] : memref<512xi32, #tpu.memory_space<vmem>> -> memref<256xi32, #tpu.memory_space<vmem>>
    %dma_wait3A_24 = arith.constant 0 : i32
    %dma_wait3A_25 = arith.constant 0 : i32
    %dma_wait3A_26 = tpu.memref_slice %arg3[%dma_wait3A_24, %dma_wait3A_25] : memref<253952x128xi32, #tpu.memory_space<hbm>> -> memref<253952x128xi32, #tpu.memory_space<hbm>>
    tpu.wait_indirect_dma semaphore(%arg9 : memref<!tpu.dma_semaphore, #tpu.memory_space<semaphore_mem>>) src(%dma_wait3A_26 : memref<253952x128xi32, #tpu.memory_space<hbm>>) dst(%arg7 : memref<256x128xi32, #tpu.memory_space<vmem>>)
    %add3A_27 = arith.constant 256 : i32
    %add3A_28 = arith.addi %mul3A_2, %add3A_27 : i32
    %dma_start3A_29 = arith.constant 0 : i32
    %dma_start3A_30 = tpu.memref_slice %arg4[%add3A_28, %dma_start3A_29] : memref<16384x128xi32, #tpu.memory_space<hbm>> -> memref<256x128xi32, #tpu.memory_space<hbm>>
    %dma_start3A_31 = arith.constant 0 : i32
    %dma_start3A_32 = tpu.memref_slice %arg4[%add3A_28, %dma_start3A_31] : memref<16384x128xi32, #tpu.memory_space<hbm>> -> memref<256x128xi32, #tpu.memory_space<hbm>>
    tpu.enqueue_dma source(%arg7 : memref<256x128xi32, #tpu.memory_space<vmem>>) target(%dma_start3A_32 : memref<256x128xi32, #tpu.memory_space<hbm>>) target_semaphore(%arg11 : memref<!tpu.dma_semaphore, #tpu.memory_space<semaphore_mem>>)
    %add3A_33 = arith.constant 0 : i32
    %add3A_34 = arith.addi %mul3A_2, %add3A_33 : i32
    %dma_wait3A_35 = arith.constant 0 : i32
    %dma_wait3A_36 = tpu.memref_slice %arg4[%add3A_34, %dma_wait3A_35] : memref<16384x128xi32, #tpu.memory_space<hbm>> -> memref<256x128xi32, #tpu.memory_space<hbm>>
    %dma_wait3A_37 = arith.constant 0 : i32
    %dma_wait3A_38 = tpu.memref_slice %arg4[%add3A_34, %dma_wait3A_37] : memref<16384x128xi32, #tpu.memory_space<hbm>> -> memref<256x128xi32, #tpu.memory_space<hbm>>
    tpu.wait_dma2 semaphore(%arg10 : memref<!tpu.dma_semaphore, #tpu.memory_space<semaphore_mem>>) src(%arg6 : memref<256x128xi32, #tpu.memory_space<vmem>>) dst(%dma_wait3A_38 : memref<256x128xi32, #tpu.memory_space<hbm>>)
    %add3A_39 = arith.constant 256 : i32
    %add3A_40 = arith.addi %mul3A_2, %add3A_39 : i32
    %dma_wait3A_41 = arith.constant 0 : i32
    %dma_wait3A_42 = tpu.memref_slice %arg4[%add3A_40, %dma_wait3A_41] : memref<16384x128xi32, #tpu.memory_space<hbm>> -> memref<256x128xi32, #tpu.memory_space<hbm>>
    %dma_wait3A_43 = arith.constant 0 : i32
    %dma_wait3A_44 = tpu.memref_slice %arg4[%add3A_40, %dma_wait3A_43] : memref<16384x128xi32, #tpu.memory_space<hbm>> -> memref<256x128xi32, #tpu.memory_space<hbm>>
    tpu.wait_dma2 semaphore(%arg11 : memref<!tpu.dma_semaphore, #tpu.memory_space<semaphore_mem>>) src(%arg7 : memref<256x128xi32, #tpu.memory_space<vmem>>) dst(%dma_wait3A_44 : memref<256x128xi32, #tpu.memory_space<hbm>>)
    return
  }
}

#map = affine_map<(d0, d1) -> (0)>
#map1 = affine_map<(d0, d1) -> (0, 0)>
module attributes {stable_mosaic.version = 14 : i64} {
  func.func @gather_k(%arg0: i32, %arg1: i32, %arg2: memref<16384xi32, #tpu.memory_space<hbm>>, %arg3: memref<253952x128xi32, #tpu.memory_space<hbm>>, %arg4: memref<16384x128xi32, #tpu.memory_space<hbm>>, %arg5: memref<512xi32, #tpu.memory_space<vmem>>, %arg6: memref<256x128xi32, #tpu.memory_space<vmem>>, %arg7: memref<256x128xi32, #tpu.memory_space<vmem>>, %arg8: memref<!tpu.dma_semaphore, #tpu.memory_space<semaphore_mem>>, %arg9: memref<!tpu.dma_semaphore, #tpu.memory_space<semaphore_mem>>, %arg10: memref<!tpu.dma_semaphore, #tpu.memory_space<semaphore_mem>>, %arg11: memref<!tpu.dma_semaphore, #tpu.memory_space<semaphore_mem>>) attributes {dimension_semantics = [#tpu.dimension_semantics<core_parallel>, #tpu.dimension_semantics<subcore_parallel>], iteration_bounds = array<i64: 2, 16>, scalar_prefetch = 0 : i64, scratch_operands = 7 : i64, tpu.core_type = #tpu.core_type<sc_vector_subcore>, window_params = [{transform_indices = #map}, {transform_indices = #map1}, {transform_indices = #map1}]} {
    %mul3A = arith.constant 2 : i32
    %mul3A_0 = arith.muli %arg1, %mul3A : i32
    %add3A = arith.addi %mul3A_0, %arg0 : i32
    %mul3A_1 = arith.constant 512 : i32
    %mul3A_2 = arith.muli %add3A, %mul3A_1 : i32
    "tpu.region"() ({
      %run_scoped3A = tpu.sem_alloc : memref<!tpu.dma_semaphore, #tpu.memory_space<semaphore_mem>>
      %dma_start3A_45 = tpu.memref_slice %arg2[%mul3A_2] : memref<16384xi32, #tpu.memory_space<hbm>> -> memref<512xi32, #tpu.memory_space<hbm>>
      %dma_start3A_46 = tpu.memref_slice %arg2[%mul3A_2] : memref<16384xi32, #tpu.memory_space<hbm>> -> memref<512xi32, #tpu.memory_space<hbm>>
      tpu.enqueue_dma source(%dma_start3A_46 : memref<512xi32, #tpu.memory_space<hbm>>) target(%arg5 : memref<512xi32, #tpu.memory_space<vmem>>) target_semaphore(%run_scoped3A : memref<!tpu.dma_semaphore, #tpu.memory_space<semaphore_mem>>)
      %dma_wait3A_47 = tpu.memref_slice %arg2[%mul3A_2] : memref<16384xi32, #tpu.memory_space<hbm>> -> memref<512xi32, #tpu.memory_space<hbm>>
      %dma_wait3A_48 = tpu.memref_slice %arg2[%mul3A_2] : memref<16384xi32, #tpu.memory_space<hbm>> -> memref<512xi32, #tpu.memory_space<hbm>>
      tpu.wait_dma2 semaphore(%run_scoped3A : memref<!tpu.dma_semaphore, #tpu.memory_space<semaphore_mem>>) src(%dma_wait3A_48 : memref<512xi32, #tpu.memory_space<hbm>>) dst(%arg5 : memref<512xi32, #tpu.memory_space<vmem>>)
      tpu.yield
    }) : () -> ()
    %dma_start3A = arith.constant 0 : i32
    %dma_start3A_3 = tpu.memref_slice %arg5[%dma_start3A] : memref<512xi32, #tpu.memory_space<vmem>> -> memref<256xi32, #tpu.memory_space<vmem>>
    %dma_start3A_4 = arith.constant 0 : i32
    %dma_start3A_5 = arith.constant 0 : i32
    %dma_start3A_6 = tpu.memref_slice %arg3[%dma_start3A_4, %dma_start3A_5] : memref<253952x128xi32, #tpu.memory_space<hbm>> -> memref<253952x128xi32, #tpu.memory_space<hbm>>
    tpu.enqueue_indirect_dma source(%dma_start3A_6 : memref<253952x128xi32, #tpu.memory_space<hbm>>) target(%arg6 : memref<256x128xi32, #tpu.memory_space<vmem>>) offsets(%dma_start3A_3 : memref<256xi32, #tpu.memory_space<vmem>>) semaphore(%arg8 : memref<!tpu.dma_semaphore, #tpu.memory_space<semaphore_mem>>)
    %dma_start3A_7 = arith.constant 256 : i32
    %dma_start3A_8 = tpu.memref_slice %arg5[%dma_start3A_7] : memref<512xi32, #tpu.memory_space<vmem>> -> memref<256xi32, #tpu.memory_space<vmem>>
    %dma_start3A_9 = arith.constant 0 : i32
    %dma_start3A_10 = arith.constant 0 : i32
    %dma_start3A_11 = tpu.memref_slice %arg3[%dma_start3A_9, %dma_start3A_10] : memref<253952x128xi32, #tpu.memory_space<hbm>> -> memref<253952x128xi32, #tpu.memory_space<hbm>>
    tpu.enqueue_indirect_dma source(%dma_start3A_11 : memref<253952x128xi32, #tpu.memory_space<hbm>>) target(%arg7 : memref<256x128xi32, #tpu.memory_space<vmem>>) offsets(%dma_start3A_8 : memref<256xi32, #tpu.memory_space<vmem>>) semaphore(%arg9 : memref<!tpu.dma_semaphore, #tpu.memory_space<semaphore_mem>>)
    %dma_wait3A = arith.constant 0 : i32
    %dma_wait3A_12 = tpu.memref_slice %arg5[%dma_wait3A] : memref<512xi32, #tpu.memory_space<vmem>> -> memref<256xi32, #tpu.memory_space<vmem>>
    %dma_wait3A_13 = arith.constant 0 : i32
    %dma_wait3A_14 = arith.constant 0 : i32
    %dma_wait3A_15 = tpu.memref_slice %arg3[%dma_wait3A_13, %dma_wait3A_14] : memref<253952x128xi32, #tpu.memory_space<hbm>> -> memref<253952x128xi32, #tpu.memory_space<hbm>>
    tpu.wait_indirect_dma semaphore(%arg8 : memref<!tpu.dma_semaphore, #tpu.memory_space<semaphore_mem>>) src(%dma_wait3A_15 : memref<253952x128xi32, #tpu.memory_space<hbm>>) dst(%arg6 : memref<256x128xi32, #tpu.memory_space<vmem>>)
    %add3A_16 = arith.constant 0 : i32
    %add3A_17 = arith.addi %mul3A_2, %add3A_16 : i32
    %dma_start3A_18 = arith.constant 0 : i32
    %dma_start3A_19 = tpu.memref_slice %arg4[%add3A_17, %dma_start3A_18] : memref<16384x128xi32, #tpu.memory_space<hbm>> -> memref<256x128xi32, #tpu.memory_space<hbm>>
    %dma_start3A_20 = arith.constant 0 : i32
    %dma_start3A_21 = tpu.memref_slice %arg4[%add3A_17, %dma_start3A_20] : memref<16384x128xi32, #tpu.memory_space<hbm>> -> memref<256x128xi32, #tpu.memory_space<hbm>>
    tpu.enqueue_dma source(%arg6 : memref<256x128xi32, #tpu.memory_space<vmem>>) target(%dma_start3A_21 : memref<256x128xi32, #tpu.memory_space<hbm>>) target_semaphore(%arg10 : memref<!tpu.dma_semaphore, #tpu.memory_space<semaphore_mem>>)
    %dma_wait3A_22 = arith.constant 256 : i32
    %dma_wait3A_23 = tpu.memref_slice %arg5[%dma_wait3A_22] : memref<512xi32, #tpu.memory_space<vmem>> -> memref<256xi32, #tpu.memory_space<vmem>>
    %dma_wait3A_24 = arith.constant 0 : i32
    %dma_wait3A_25 = arith.constant 0 : i32
    %dma_wait3A_26 = tpu.memref_slice %arg3[%dma_wait3A_24, %dma_wait3A_25] : memref<253952x128xi32, #tpu.memory_space<hbm>> -> memref<253952x128xi32, #tpu.memory_space<hbm>>
    tpu.wait_indirect_dma semaphore(%arg9 : memref<!tpu.dma_semaphore, #tpu.memory_space<semaphore_mem>>) src(%dma_wait3A_26 : memref<253952x128xi32, #tpu.memory_space<hbm>>) dst(%arg7 : memref<256x128xi32, #tpu.memory_space<vmem>>)
    %add3A_27 = arith.constant 256 : i32
    %add3A_28 = arith.addi %mul3A_2, %add3A_27 : i32
    %dma_start3A_29 = arith.constant 0 : i32
    %dma_start3A_30 = tpu.memref_slice %arg4[%add3A_28, %dma_start3A_29] : memref<16384x128xi32, #tpu.memory_space<hbm>> -> memref<256x128xi32, #tpu.memory_space<hbm>>
    %dma_start3A_31 = arith.constant 0 : i32
    %dma_start3A_32 = tpu.memref_slice %arg4[%add3A_28, %dma_start3A_31] : memref<16384x128xi32, #tpu.memory_space<hbm>> -> memref<256x128xi32, #tpu.memory_space<hbm>>
    tpu.enqueue_dma source(%arg7 : memref<256x128xi32, #tpu.memory_space<vmem>>) target(%dma_start3A_32 : memref<256x128xi32, #tpu.memory_space<hbm>>) target_semaphore(%arg11 : memref<!tpu.dma_semaphore, #tpu.memory_space<semaphore_mem>>)
    %add3A_33 = arith.constant 0 : i32
    %add3A_34 = arith.addi %mul3A_2, %add3A_33 : i32
    %dma_wait3A_35 = arith.constant 0 : i32
    %dma_wait3A_36 = tpu.memref_slice %arg4[%add3A_34, %dma_wait3A_35] : memref<16384x128xi32, #tpu.memory_space<hbm>> -> memref<256x128xi32, #tpu.memory_space<hbm>>
    %dma_wait3A_37 = arith.constant 0 : i32
    %dma_wait3A_38 = tpu.memref_slice %arg4[%add3A_34, %dma_wait3A_37] : memref<16384x128xi32, #tpu.memory_space<hbm>> -> memref<256x128xi32, #tpu.memory_space<hbm>>
    tpu.wait_dma2 semaphore(%arg10 : memref<!tpu.dma_semaphore, #tpu.memory_space<semaphore_mem>>) src(%arg6 : memref<256x128xi32, #tpu.memory_space<vmem>>) dst(%dma_wait3A_38 : memref<256x128xi32, #tpu.memory_space<hbm>>)
    %add3A_39 = arith.constant 256 : i32
    %add3A_40 = arith.addi %mul3A_2, %add3A_39 : i32
    %dma_wait3A_41 = arith.constant 0 : i32
    %dma_wait3A_42 = tpu.memref_slice %arg4[%add3A_40, %dma_wait3A_41] : memref<16384x128xi32, #tpu.memory_space<hbm>> -> memref<256x128xi32, #tpu.memory_space<hbm>>
    %dma_wait3A_43 = arith.constant 0 : i32
    %dma_wait3A_44 = tpu.memref_slice %arg4[%add3A_40, %dma_wait3A_43] : memref<16384x128xi32, #tpu.memory_space<hbm>> -> memref<256x128xi32, #tpu.memory_space<hbm>>
    tpu.wait_dma2 semaphore(%arg11 : memref<!tpu.dma_semaphore, #tpu.memory_space<semaphore_mem>>) src(%arg7 : memref<256x128xi32, #tpu.memory_space<vmem>>) dst(%dma_wait3A_44 : memref<256x128xi32, #tpu.memory_space<hbm>>)
    return
  }
}

#map = affine_map<(d0, d1) -> (0)>
#map1 = affine_map<(d0, d1) -> (0, 0)>
module attributes {stable_mosaic.version = 14 : i64} {
  func.func @gather_k(%arg0: i32, %arg1: i32, %arg2: memref<16384xi32, #tpu.memory_space<hbm>>, %arg3: memref<253952x128xi32, #tpu.memory_space<hbm>>, %arg4: memref<16384x128xi32, #tpu.memory_space<hbm>>, %arg5: memref<512xi32, #tpu.memory_space<vmem>>, %arg6: memref<256x128xi32, #tpu.memory_space<vmem>>, %arg7: memref<256x128xi32, #tpu.memory_space<vmem>>, %arg8: memref<!tpu.dma_semaphore, #tpu.memory_space<semaphore_mem>>, %arg9: memref<!tpu.dma_semaphore, #tpu.memory_space<semaphore_mem>>, %arg10: memref<!tpu.dma_semaphore, #tpu.memory_space<semaphore_mem>>, %arg11: memref<!tpu.dma_semaphore, #tpu.memory_space<semaphore_mem>>) attributes {dimension_semantics = [#tpu.dimension_semantics<core_parallel>, #tpu.dimension_semantics<subcore_parallel>], iteration_bounds = array<i64: 2, 16>, scalar_prefetch = 0 : i64, scratch_operands = 7 : i64, tpu.core_type = #tpu.core_type<sc_vector_subcore>, window_params = [{transform_indices = #map}, {transform_indices = #map1}, {transform_indices = #map1}]} {
    %mul3A = arith.constant 2 : i32
    %mul3A_0 = arith.muli %arg1, %mul3A : i32
    %add3A = arith.addi %mul3A_0, %arg0 : i32
    %mul3A_1 = arith.constant 512 : i32
    %mul3A_2 = arith.muli %add3A, %mul3A_1 : i32
    "tpu.region"() ({
      %run_scoped3A = tpu.sem_alloc : memref<!tpu.dma_semaphore, #tpu.memory_space<semaphore_mem>>
      %dma_start3A_45 = tpu.memref_slice %arg2[%mul3A_2] : memref<16384xi32, #tpu.memory_space<hbm>> -> memref<512xi32, #tpu.memory_space<hbm>>
      %dma_start3A_46 = tpu.memref_slice %arg2[%mul3A_2] : memref<16384xi32, #tpu.memory_space<hbm>> -> memref<512xi32, #tpu.memory_space<hbm>>
      tpu.enqueue_dma source(%dma_start3A_46 : memref<512xi32, #tpu.memory_space<hbm>>) target(%arg5 : memref<512xi32, #tpu.memory_space<vmem>>) target_semaphore(%run_scoped3A : memref<!tpu.dma_semaphore, #tpu.memory_space<semaphore_mem>>)
      %dma_wait3A_47 = tpu.memref_slice %arg2[%mul3A_2] : memref<16384xi32, #tpu.memory_space<hbm>> -> memref<512xi32, #tpu.memory_space<hbm>>
      %dma_wait3A_48 = tpu.memref_slice %arg2[%mul3A_2] : memref<16384xi32, #tpu.memory_space<hbm>> -> memref<512xi32, #tpu.memory_space<hbm>>
      tpu.wait_dma2 semaphore(%run_scoped3A : memref<!tpu.dma_semaphore, #tpu.memory_space<semaphore_mem>>) src(%dma_wait3A_48 : memref<512xi32, #tpu.memory_space<hbm>>) dst(%arg5 : memref<512xi32, #tpu.memory_space<vmem>>)
      tpu.yield
    }) : () -> ()
    %dma_start3A = arith.constant 0 : i32
    %dma_start3A_3 = tpu.memref_slice %arg5[%dma_start3A] : memref<512xi32, #tpu.memory_space<vmem>> -> memref<256xi32, #tpu.memory_space<vmem>>
    %dma_start3A_4 = arith.constant 0 : i32
    %dma_start3A_5 = arith.constant 0 : i32
    %dma_start3A_6 = tpu.memref_slice %arg3[%dma_start3A_4, %dma_start3A_5] : memref<253952x128xi32, #tpu.memory_space<hbm>> -> memref<253952x128xi32, #tpu.memory_space<hbm>>
    tpu.enqueue_indirect_dma source(%dma_start3A_6 : memref<253952x128xi32, #tpu.memory_space<hbm>>) target(%arg6 : memref<256x128xi32, #tpu.memory_space<vmem>>) offsets(%dma_start3A_3 : memref<256xi32, #tpu.memory_space<vmem>>) semaphore(%arg8 : memref<!tpu.dma_semaphore, #tpu.memory_space<semaphore_mem>>)
    %dma_start3A_7 = arith.constant 256 : i32
    %dma_start3A_8 = tpu.memref_slice %arg5[%dma_start3A_7] : memref<512xi32, #tpu.memory_space<vmem>> -> memref<256xi32, #tpu.memory_space<vmem>>
    %dma_start3A_9 = arith.constant 0 : i32
    %dma_start3A_10 = arith.constant 0 : i32
    %dma_start3A_11 = tpu.memref_slice %arg3[%dma_start3A_9, %dma_start3A_10] : memref<253952x128xi32, #tpu.memory_space<hbm>> -> memref<253952x128xi32, #tpu.memory_space<hbm>>
    tpu.enqueue_indirect_dma source(%dma_start3A_11 : memref<253952x128xi32, #tpu.memory_space<hbm>>) target(%arg7 : memref<256x128xi32, #tpu.memory_space<vmem>>) offsets(%dma_start3A_8 : memref<256xi32, #tpu.memory_space<vmem>>) semaphore(%arg9 : memref<!tpu.dma_semaphore, #tpu.memory_space<semaphore_mem>>)
    %dma_wait3A = arith.constant 0 : i32
    %dma_wait3A_12 = tpu.memref_slice %arg5[%dma_wait3A] : memref<512xi32, #tpu.memory_space<vmem>> -> memref<256xi32, #tpu.memory_space<vmem>>
    %dma_wait3A_13 = arith.constant 0 : i32
    %dma_wait3A_14 = arith.constant 0 : i32
    %dma_wait3A_15 = tpu.memref_slice %arg3[%dma_wait3A_13, %dma_wait3A_14] : memref<253952x128xi32, #tpu.memory_space<hbm>> -> memref<253952x128xi32, #tpu.memory_space<hbm>>
    tpu.wait_indirect_dma semaphore(%arg8 : memref<!tpu.dma_semaphore, #tpu.memory_space<semaphore_mem>>) src(%dma_wait3A_15 : memref<253952x128xi32, #tpu.memory_space<hbm>>) dst(%arg6 : memref<256x128xi32, #tpu.memory_space<vmem>>)
    %add3A_16 = arith.constant 0 : i32
    %add3A_17 = arith.addi %mul3A_2, %add3A_16 : i32
    %dma_start3A_18 = arith.constant 0 : i32
    %dma_start3A_19 = tpu.memref_slice %arg4[%add3A_17, %dma_start3A_18] : memref<16384x128xi32, #tpu.memory_space<hbm>> -> memref<256x128xi32, #tpu.memory_space<hbm>>
    %dma_start3A_20 = arith.constant 0 : i32
    %dma_start3A_21 = tpu.memref_slice %arg4[%add3A_17, %dma_start3A_20] : memref<16384x128xi32, #tpu.memory_space<hbm>> -> memref<256x128xi32, #tpu.memory_space<hbm>>
    tpu.enqueue_dma source(%arg6 : memref<256x128xi32, #tpu.memory_space<vmem>>) target(%dma_start3A_21 : memref<256x128xi32, #tpu.memory_space<hbm>>) target_semaphore(%arg10 : memref<!tpu.dma_semaphore, #tpu.memory_space<semaphore_mem>>)
    %dma_wait3A_22 = arith.constant 256 : i32
    %dma_wait3A_23 = tpu.memref_slice %arg5[%dma_wait3A_22] : memref<512xi32, #tpu.memory_space<vmem>> -> memref<256xi32, #tpu.memory_space<vmem>>
    %dma_wait3A_24 = arith.constant 0 : i32
    %dma_wait3A_25 = arith.constant 0 : i32
    %dma_wait3A_26 = tpu.memref_slice %arg3[%dma_wait3A_24, %dma_wait3A_25] : memref<253952x128xi32, #tpu.memory_space<hbm>> -> memref<253952x128xi32, #tpu.memory_space<hbm>>
    tpu.wait_indirect_dma semaphore(%arg9 : memref<!tpu.dma_semaphore, #tpu.memory_space<semaphore_mem>>) src(%dma_wait3A_26 : memref<253952x128xi32, #tpu.memory_space<hbm>>) dst(%arg7 : memref<256x128xi32, #tpu.memory_space<vmem>>)
    %add3A_27 = arith.constant 256 : i32
    %add3A_28 = arith.addi %mul3A_2, %add3A_27 : i32
    %dma_start3A_29 = arith.constant 0 : i32
    %dma_start3A_30 = tpu.memref_slice %arg4[%add3A_28, %dma_start3A_29] : memref<16384x128xi32, #tpu.memory_space<hbm>> -> memref<256x128xi32, #tpu.memory_space<hbm>>
    %dma_start3A_31 = arith.constant 0 : i32
    %dma_start3A_32 = tpu.memref_slice %arg4[%add3A_28, %dma_start3A_31] : memref<16384x128xi32, #tpu.memory_space<hbm>> -> memref<256x128xi32, #tpu.memory_space<hbm>>
    tpu.enqueue_dma source(%arg7 : memref<256x128xi32, #tpu.memory_space<vmem>>) target(%dma_start3A_32 : memref<256x128xi32, #tpu.memory_space<hbm>>) target_semaphore(%arg11 : memref<!tpu.dma_semaphore, #tpu.memory_space<semaphore_mem>>)
    %add3A_33 = arith.constant 0 : i32
    %add3A_34 = arith.addi %mul3A_2, %add3A_33 : i32
    %dma_wait3A_35 = arith.constant 0 : i32
    %dma_wait3A_36 = tpu.memref_slice %arg4[%add3A_34, %dma_wait3A_35] : memref<16384x128xi32, #tpu.memory_space<hbm>> -> memref<256x128xi32, #tpu.memory_space<hbm>>
    %dma_wait3A_37 = arith.constant 0 : i32
    %dma_wait3A_38 = tpu.memref_slice %arg4[%add3A_34, %dma_wait3A_37] : memref<16384x128xi32, #tpu.memory_space<hbm>> -> memref<256x128xi32, #tpu.memory_space<hbm>>
    tpu.wait_dma2 semaphore(%arg10 : memref<!tpu.dma_semaphore, #tpu.memory_space<semaphore_mem>>) src(%arg6 : memref<256x128xi32, #tpu.memory_space<vmem>>) dst(%dma_wait3A_38 : memref<256x128xi32, #tpu.memory_space<hbm>>)
    %add3A_39 = arith.constant 256 : i32
    %add3A_40 = arith.addi %mul3A_2, %add3A_39 : i32
    %dma_wait3A_41 = arith.constant 0 : i32
    %dma_wait3A_42 = tpu.memref_slice %arg4[%add3A_40, %dma_wait3A_41] : memref<16384x128xi32, #tpu.memory_space<hbm>> -> memref<256x128xi32, #tpu.memory_space<hbm>>
    %dma_wait3A_43 = arith.constant 0 : i32
    %dma_wait3A_44 = tpu.memref_slice %arg4[%add3A_40, %dma_wait3A_43] : memref<16384x128xi32, #tpu.memory_space<hbm>> -> memref<256x128xi32, #tpu.memory_space<hbm>>
    tpu.wait_dma2 semaphore(%arg11 : memref<!tpu.dma_semaphore, #tpu.memory_space<semaphore_mem>>) src(%arg7 : memref<256x128xi32, #tpu.memory_space<vmem>>) dst(%dma_wait3A_44 : memref<256x128xi32, #tpu.memory_space<hbm>>)
    return
  }
}

#map = affine_map<(d0, d1) -> (0)>
#map1 = affine_map<(d0, d1) -> (0, 0)>
module attributes {stable_mosaic.version = 14 : i64} {
  func.func @gather_k(%arg0: i32, %arg1: i32, %arg2: memref<16384xi32, #tpu.memory_space<hbm>>, %arg3: memref<253952x128xi32, #tpu.memory_space<hbm>>, %arg4: memref<16384x128xi32, #tpu.memory_space<hbm>>, %arg5: memref<512xi32, #tpu.memory_space<vmem>>, %arg6: memref<256x128xi32, #tpu.memory_space<vmem>>, %arg7: memref<256x128xi32, #tpu.memory_space<vmem>>, %arg8: memref<!tpu.dma_semaphore, #tpu.memory_space<semaphore_mem>>, %arg9: memref<!tpu.dma_semaphore, #tpu.memory_space<semaphore_mem>>, %arg10: memref<!tpu.dma_semaphore, #tpu.memory_space<semaphore_mem>>, %arg11: memref<!tpu.dma_semaphore, #tpu.memory_space<semaphore_mem>>) attributes {dimension_semantics = [#tpu.dimension_semantics<core_parallel>, #tpu.dimension_semantics<subcore_parallel>], iteration_bounds = array<i64: 2, 16>, scalar_prefetch = 0 : i64, scratch_operands = 7 : i64, tpu.core_type = #tpu.core_type<sc_vector_subcore>, window_params = [{transform_indices = #map}, {transform_indices = #map1}, {transform_indices = #map1}]} {
    %mul3A = arith.constant 2 : i32
    %mul3A_0 = arith.muli %arg1, %mul3A : i32
    %add3A = arith.addi %mul3A_0, %arg0 : i32
    %mul3A_1 = arith.constant 512 : i32
    %mul3A_2 = arith.muli %add3A, %mul3A_1 : i32
    "tpu.region"() ({
      %run_scoped3A = tpu.sem_alloc : memref<!tpu.dma_semaphore, #tpu.memory_space<semaphore_mem>>
      %dma_start3A_45 = tpu.memref_slice %arg2[%mul3A_2] : memref<16384xi32, #tpu.memory_space<hbm>> -> memref<512xi32, #tpu.memory_space<hbm>>
      %dma_start3A_46 = tpu.memref_slice %arg2[%mul3A_2] : memref<16384xi32, #tpu.memory_space<hbm>> -> memref<512xi32, #tpu.memory_space<hbm>>
      tpu.enqueue_dma source(%dma_start3A_46 : memref<512xi32, #tpu.memory_space<hbm>>) target(%arg5 : memref<512xi32, #tpu.memory_space<vmem>>) target_semaphore(%run_scoped3A : memref<!tpu.dma_semaphore, #tpu.memory_space<semaphore_mem>>)
      %dma_wait3A_47 = tpu.memref_slice %arg2[%mul3A_2] : memref<16384xi32, #tpu.memory_space<hbm>> -> memref<512xi32, #tpu.memory_space<hbm>>
      %dma_wait3A_48 = tpu.memref_slice %arg2[%mul3A_2] : memref<16384xi32, #tpu.memory_space<hbm>> -> memref<512xi32, #tpu.memory_space<hbm>>
      tpu.wait_dma2 semaphore(%run_scoped3A : memref<!tpu.dma_semaphore, #tpu.memory_space<semaphore_mem>>) src(%dma_wait3A_48 : memref<512xi32, #tpu.memory_space<hbm>>) dst(%arg5 : memref<512xi32, #tpu.memory_space<vmem>>)
      tpu.yield
    }) : () -> ()
    %dma_start3A = arith.constant 0 : i32
    %dma_start3A_3 = tpu.memref_slice %arg5[%dma_start3A] : memref<512xi32, #tpu.memory_space<vmem>> -> memref<256xi32, #tpu.memory_space<vmem>>
    %dma_start3A_4 = arith.constant 0 : i32
    %dma_start3A_5 = arith.constant 0 : i32
    %dma_start3A_6 = tpu.memref_slice %arg3[%dma_start3A_4, %dma_start3A_5] : memref<253952x128xi32, #tpu.memory_space<hbm>> -> memref<253952x128xi32, #tpu.memory_space<hbm>>
    tpu.enqueue_indirect_dma source(%dma_start3A_6 : memref<253952x128xi32, #tpu.memory_space<hbm>>) target(%arg6 : memref<256x128xi32, #tpu.memory_space<vmem>>) offsets(%dma_start3A_3 : memref<256xi32, #tpu.memory_space<vmem>>) semaphore(%arg8 : memref<!tpu.dma_semaphore, #tpu.memory_space<semaphore_mem>>)
    %dma_start3A_7 = arith.constant 256 : i32
    %dma_start3A_8 = tpu.memref_slice %arg5[%dma_start3A_7] : memref<512xi32, #tpu.memory_space<vmem>> -> memref<256xi32, #tpu.memory_space<vmem>>
    %dma_start3A_9 = arith.constant 0 : i32
    %dma_start3A_10 = arith.constant 0 : i32
    %dma_start3A_11 = tpu.memref_slice %arg3[%dma_start3A_9, %dma_start3A_10] : memref<253952x128xi32, #tpu.memory_space<hbm>> -> memref<253952x128xi32, #tpu.memory_space<hbm>>
    tpu.enqueue_indirect_dma source(%dma_start3A_11 : memref<253952x128xi32, #tpu.memory_space<hbm>>) target(%arg7 : memref<256x128xi32, #tpu.memory_space<vmem>>) offsets(%dma_start3A_8 : memref<256xi32, #tpu.memory_space<vmem>>) semaphore(%arg9 : memref<!tpu.dma_semaphore, #tpu.memory_space<semaphore_mem>>)
    %dma_wait3A = arith.constant 0 : i32
    %dma_wait3A_12 = tpu.memref_slice %arg5[%dma_wait3A] : memref<512xi32, #tpu.memory_space<vmem>> -> memref<256xi32, #tpu.memory_space<vmem>>
    %dma_wait3A_13 = arith.constant 0 : i32
    %dma_wait3A_14 = arith.constant 0 : i32
    %dma_wait3A_15 = tpu.memref_slice %arg3[%dma_wait3A_13, %dma_wait3A_14] : memref<253952x128xi32, #tpu.memory_space<hbm>> -> memref<253952x128xi32, #tpu.memory_space<hbm>>
    tpu.wait_indirect_dma semaphore(%arg8 : memref<!tpu.dma_semaphore, #tpu.memory_space<semaphore_mem>>) src(%dma_wait3A_15 : memref<253952x128xi32, #tpu.memory_space<hbm>>) dst(%arg6 : memref<256x128xi32, #tpu.memory_space<vmem>>)
    %add3A_16 = arith.constant 0 : i32
    %add3A_17 = arith.addi %mul3A_2, %add3A_16 : i32
    %dma_start3A_18 = arith.constant 0 : i32
    %dma_start3A_19 = tpu.memref_slice %arg4[%add3A_17, %dma_start3A_18] : memref<16384x128xi32, #tpu.memory_space<hbm>> -> memref<256x128xi32, #tpu.memory_space<hbm>>
    %dma_start3A_20 = arith.constant 0 : i32
    %dma_start3A_21 = tpu.memref_slice %arg4[%add3A_17, %dma_start3A_20] : memref<16384x128xi32, #tpu.memory_space<hbm>> -> memref<256x128xi32, #tpu.memory_space<hbm>>
    tpu.enqueue_dma source(%arg6 : memref<256x128xi32, #tpu.memory_space<vmem>>) target(%dma_start3A_21 : memref<256x128xi32, #tpu.memory_space<hbm>>) target_semaphore(%arg10 : memref<!tpu.dma_semaphore, #tpu.memory_space<semaphore_mem>>)
    %dma_wait3A_22 = arith.constant 256 : i32
    %dma_wait3A_23 = tpu.memref_slice %arg5[%dma_wait3A_22] : memref<512xi32, #tpu.memory_space<vmem>> -> memref<256xi32, #tpu.memory_space<vmem>>
    %dma_wait3A_24 = arith.constant 0 : i32
    %dma_wait3A_25 = arith.constant 0 : i32
    %dma_wait3A_26 = tpu.memref_slice %arg3[%dma_wait3A_24, %dma_wait3A_25] : memref<253952x128xi32, #tpu.memory_space<hbm>> -> memref<253952x128xi32, #tpu.memory_space<hbm>>
    tpu.wait_indirect_dma semaphore(%arg9 : memref<!tpu.dma_semaphore, #tpu.memory_space<semaphore_mem>>) src(%dma_wait3A_26 : memref<253952x128xi32, #tpu.memory_space<hbm>>) dst(%arg7 : memref<256x128xi32, #tpu.memory_space<vmem>>)
    %add3A_27 = arith.constant 256 : i32
    %add3A_28 = arith.addi %mul3A_2, %add3A_27 : i32
    %dma_start3A_29 = arith.constant 0 : i32
    %dma_start3A_30 = tpu.memref_slice %arg4[%add3A_28, %dma_start3A_29] : memref<16384x128xi32, #tpu.memory_space<hbm>> -> memref<256x128xi32, #tpu.memory_space<hbm>>
    %dma_start3A_31 = arith.constant 0 : i32
    %dma_start3A_32 = tpu.memref_slice %arg4[%add3A_28, %dma_start3A_31] : memref<16384x128xi32, #tpu.memory_space<hbm>> -> memref<256x128xi32, #tpu.memory_space<hbm>>
    tpu.enqueue_dma source(%arg7 : memref<256x128xi32, #tpu.memory_space<vmem>>) target(%dma_start3A_32 : memref<256x128xi32, #tpu.memory_space<hbm>>) target_semaphore(%arg11 : memref<!tpu.dma_semaphore, #tpu.memory_space<semaphore_mem>>)
    %add3A_33 = arith.constant 0 : i32
    %add3A_34 = arith.addi %mul3A_2, %add3A_33 : i32
    %dma_wait3A_35 = arith.constant 0 : i32
    %dma_wait3A_36 = tpu.memref_slice %arg4[%add3A_34, %dma_wait3A_35] : memref<16384x128xi32, #tpu.memory_space<hbm>> -> memref<256x128xi32, #tpu.memory_space<hbm>>
    %dma_wait3A_37 = arith.constant 0 : i32
    %dma_wait3A_38 = tpu.memref_slice %arg4[%add3A_34, %dma_wait3A_37] : memref<16384x128xi32, #tpu.memory_space<hbm>> -> memref<256x128xi32, #tpu.memory_space<hbm>>
    tpu.wait_dma2 semaphore(%arg10 : memref<!tpu.dma_semaphore, #tpu.memory_space<semaphore_mem>>) src(%arg6 : memref<256x128xi32, #tpu.memory_space<vmem>>) dst(%dma_wait3A_38 : memref<256x128xi32, #tpu.memory_space<hbm>>)
    %add3A_39 = arith.constant 256 : i32
    %add3A_40 = arith.addi %mul3A_2, %add3A_39 : i32
    %dma_wait3A_41 = arith.constant 0 : i32
    %dma_wait3A_42 = tpu.memref_slice %arg4[%add3A_40, %dma_wait3A_41] : memref<16384x128xi32, #tpu.memory_space<hbm>> -> memref<256x128xi32, #tpu.memory_space<hbm>>
    %dma_wait3A_43 = arith.constant 0 : i32
    %dma_wait3A_44 = tpu.memref_slice %arg4[%add3A_40, %dma_wait3A_43] : memref<16384x128xi32, #tpu.memory_space<hbm>> -> memref<256x128xi32, #tpu.memory_space<hbm>>
    tpu.wait_dma2 semaphore(%arg11 : memref<!tpu.dma_semaphore, #tpu.memory_space<semaphore_mem>>) src(%arg7 : memref<256x128xi32, #tpu.memory_space<vmem>>) dst(%dma_wait3A_44 : memref<256x128xi32, #tpu.memory_space<hbm>>)
    return
  }
}

module attributes {stable_mosaic.version = 14 : i64} {
  func.func @body(%arg0: i32, %arg1: memref<64x32768xf32, #tpu.memory_space<vmem>>, %arg2: memref<8192x128xi32, #tpu.memory_space<vmem>>) attributes {dimension_semantics = [#tpu.dimension_semantics<arbitrary>], iteration_bounds = array<i64: 31>, scalar_prefetch = 0 : i64, scratch_operands = 0 : i64, tpu.core_type = #tpu.core_type<tc>, window_params = [{transform_indices = @transform_0, window_bounds = array<i64: 64, 32768>}, {transform_indices = @transform_1, window_bounds = array<i64: 8192, 128>}]} {
    %get3A = arith.constant 0 : index
    %get3A_0 = arith.constant 0 : index
    %get3A_1 = vector.load %arg1[%get3A, %get3A_0] : memref<64x32768xf32, #tpu.memory_space<vmem>>, vector<64x32768xf32>
    %slice3A = vector.extract_strided_slice %get3A_1 {offsets = [0, 0], sizes = [64, 8192], strides = [1, 1]} : vector<64x32768xf32> to vector<64x8192xf32>
    %slice3A_2 = vector.extract_strided_slice %get3A_1 {offsets = [0, 8192], sizes = [64, 8192], strides = [1, 1]} : vector<64x32768xf32> to vector<64x8192xf32>
    %transpose3A = tpu.transpose %slice3A, [1, 0] : vector<64x8192xf32> -> vector<8192x64xf32>
    %transpose3A_3 = tpu.transpose %slice3A_2, [1, 0] : vector<64x8192xf32> -> vector<8192x64xf32>
    %bitcast_convert_type3A = tpu.bitcast %transpose3A : vector<8192x64xf32> -> vector<8192x64xi32>
    %add3A = arith.constant 32768 : i32
    %add3A_4 = vector.broadcast %add3A : i32 to vector<8192x64xi32>
    %add3A_5 = arith.addi %bitcast_convert_type3A, %add3A_4 : vector<8192x64xi32>
    %shift_right_logical3A = arith.constant 16 : i32
    %shift_right_logical3A_6 = vector.broadcast %shift_right_logical3A : i32 to vector<8192x64xi32>
    %shift_right_logical3A_7 = arith.shrui %add3A_5, %shift_right_logical3A_6 : vector<8192x64xi32>
    %bitcast_convert_type3A_8 = tpu.bitcast %transpose3A_3 : vector<8192x64xf32> -> vector<8192x64xi32>
    %add3A_9 = arith.constant 32768 : i32
    %add3A_10 = vector.broadcast %add3A_9 : i32 to vector<8192x64xi32>
    %add3A_11 = arith.addi %bitcast_convert_type3A_8, %add3A_10 : vector<8192x64xi32>
    %shift_right_logical3A_12 = arith.constant 16 : i32
    %shift_right_logical3A_13 = vector.broadcast %shift_right_logical3A_12 : i32 to vector<8192x64xi32>
    %shift_right_logical3A_14 = arith.shrui %add3A_11, %shift_right_logical3A_13 : vector<8192x64xi32>
    %shift_left3A = arith.constant 16 : i32
    %shift_left3A_15 = vector.broadcast %shift_left3A : i32 to vector<8192x64xi32>
    %shift_left3A_16 = arith.shli %shift_right_logical3A_14, %shift_left3A_15 : vector<8192x64xi32>
    %or3A = arith.ori %shift_right_logical3A_7, %shift_left3A_16 : vector<8192x64xi32>
    %bitcast_convert_type3A_17 = tpu.bitcast %or3A : vector<8192x64xi32> -> vector<8192x64xi32>
    %swap3A = arith.constant 0 : index
    %swap3A_18 = arith.constant 0 : index
    %swap3A_19 = vector.load %arg2[%swap3A, %swap3A_18] : memref<8192x128xi32, #tpu.memory_space<vmem>>, vector<8192x64xi32>
    tpu.vector_store %arg2[%swap3A, %swap3A_18], %bitcast_convert_type3A_17 {strides = array<i32>} : memref<8192x128xi32, #tpu.memory_space<vmem>>, vector<8192x64xi32>,
    %slice3A_20 = vector.extract_strided_slice %get3A_1 {offsets = [0, 16384], sizes = [64, 8192], strides = [1, 1]} : vector<64x32768xf32> to vector<64x8192xf32>
    %slice3A_21 = vector.extract_strided_slice %get3A_1 {offsets = [0, 24576], sizes = [64, 8192], strides = [1, 1]} : vector<64x32768xf32> to vector<64x8192xf32>
    %transpose3A_22 = tpu.transpose %slice3A_20, [1, 0] : vector<64x8192xf32> -> vector<8192x64xf32>
    %transpose3A_23 = tpu.transpose %slice3A_21, [1, 0] : vector<64x8192xf32> -> vector<8192x64xf32>
    %bitcast_convert_type3A_24 = tpu.bitcast %transpose3A_22 : vector<8192x64xf32> -> vector<8192x64xi32>
    %add3A_25 = arith.constant 32768 : i32
    %add3A_26 = vector.broadcast %add3A_25 : i32 to vector<8192x64xi32>
    %add3A_27 = arith.addi %bitcast_convert_type3A_24, %add3A_26 : vector<8192x64xi32>
    %shift_right_logical3A_28 = arith.constant 16 : i32
    %shift_right_logical3A_29 = vector.broadcast %shift_right_logical3A_28 : i32 to vector<8192x64xi32>
    %shift_right_logical3A_30 = arith.shrui %add3A_27, %shift_right_logical3A_29 : vector<8192x64xi32>
    %bitcast_convert_type3A_31 = tpu.bitcast %transpose3A_23 : vector<8192x64xf32> -> vector<8192x64xi32>
    %add3A_32 = arith.constant 32768 : i32
    %add3A_33 = vector.broadcast %add3A_32 : i32 to vector<8192x64xi32>
    %add3A_34 = arith.addi %bitcast_convert_type3A_31, %add3A_33 : vector<8192x64xi32>
    %shift_right_logical3A_35 = arith.constant 16 : i32
    %shift_right_logical3A_36 = vector.broadcast %shift_right_logical3A_35 : i32 to vector<8192x64xi32>
    %shift_right_logical3A_37 = arith.shrui %add3A_34, %shift_right_logical3A_36 : vector<8192x64xi32>
    %shift_left3A_38 = arith.constant 16 : i32
    %shift_left3A_39 = vector.broadcast %shift_left3A_38 : i32 to vector<8192x64xi32>
    %shift_left3A_40 = arith.shli %shift_right_logical3A_37, %shift_left3A_39 : vector<8192x64xi32>
    %or3A_41 = arith.ori %shift_right_logical3A_30, %shift_left3A_40 : vector<8192x64xi32>
    %bitcast_convert_type3A_42 = tpu.bitcast %or3A_41 : vector<8192x64xi32> -> vector<8192x64xi32>
    %swap3A_43 = arith.constant 0 : index
    %swap3A_44 = arith.constant 64 : index
    %swap3A_45 = vector.load %arg2[%swap3A_43, %swap3A_44] : memref<8192x128xi32, #tpu.memory_space<vmem>>, vector<8192x64xi32>
    tpu.vector_store %arg2[%swap3A_43, %swap3A_44], %bitcast_convert_type3A_42 {strides = array<i32>} : memref<8192x128xi32, #tpu.memory_space<vmem>>, vector<8192x64xi32>,
    return
  }
  func.func @transform_0(%arg0: i32) -> (i32, i32) {
    %c0_i32 = arith.constant 0 : i32
    %c0_i32_0 = arith.constant 0 : i32
    return %c0_i32, %arg0 : i32, i32
  }
  func.func @transform_1(%arg0: i32) -> (i32, i32) {
    %c0_i32 = arith.constant 0 : i32
    %c0_i32_0 = arith.constant 0 : i32
    return %arg0, %c0_i32 : i32, i32
  }
}

module attributes {stable_mosaic.version = 14 : i64} {
  func.func @body(%arg0: i32, %arg1: memref<256x16x128xi32, #tpu.memory_space<vmem>>, %arg2: memref<256x16xi32, #tpu.memory_space<vmem>>, %arg3: memref<64x512xf32, #tpu.memory_space<vmem>>, %arg4: memref<1x512xf32, #tpu.memory_space<vmem>>, %arg5: memref<512x128xf32, #tpu.memory_space<vmem>>, %arg6: memref<1x128xf32, #tpu.memory_space<vmem>>, %arg7: memref<256x128xf32, #tpu.memory_space<vmem>>) attributes {dimension_semantics = [#tpu.dimension_semantics<arbitrary>], iteration_bounds = array<i64: 4>, scalar_prefetch = 0 : i64, scratch_operands = 0 : i64, tpu.core_type = #tpu.core_type<tc>, window_params = [{transform_indices = @transform_0, window_bounds = array<i64: 256, 16, 128>}, {transform_indices = @transform_1, window_bounds = array<i64: 256, 16>}, {pipeline_mode = #tpu.pipeline_mode<synchronous>, transform_indices = @transform_2, window_bounds = array<i64: 64, 512>}, {pipeline_mode = #tpu.pipeline_mode<synchronous>, transform_indices = @transform_3, window_bounds = array<i64: 1, 512>}, {pipeline_mode = #tpu.pipeline_mode<synchronous>, transform_indices = @transform_4, window_bounds = array<i64: 512, 128>}, {pipeline_mode = #tpu.pipeline_mode<synchronous>, transform_indices = @transform_5, window_bounds = array<i64: 1, 128>}, {transform_indices = @transform_6, window_bounds = array<i64: 256, 128>}]} {
    %get3A = arith.constant 0 : index
    %get3A_0 = arith.constant 0 : index
    %get3A_1 = vector.load %arg3[%get3A, %get3A_0] : memref<64x512xf32, #tpu.memory_space<vmem>>, vector<64x512xf32>
    %get3A_2 = arith.constant 0 : index
    %get3A_3 = arith.constant 0 : index
    %get3A_4 = arith.constant 0 : index
    %get3A_5 = vector.load %arg1[%get3A_2, %get3A_3, %get3A_4] : memref<256x16x128xi32, #tpu.memory_space<vmem>>, vector<256x1x64xi32>
    %get3A_6 = vector.shape_cast %get3A_5 : vector<256x1x64xi32> to vector<256x64xi32>
    %get3A_7 = arith.constant 0 : index
    %get3A_8 = arith.constant 0 : index
    %get3A_9 = arith.constant 64 : index
    %get3A_10 = vector.load %arg1[%get3A_7, %get3A_8, %get3A_9] : memref<256x16x128xi32, #tpu.memory_space<vmem>>, vector<256x1x64xi32>
    %get3A_11 = vector.shape_cast %get3A_10 : vector<256x1x64xi32> to vector<256x64xi32>
    %get3A_12 = arith.constant 0 : index
    %get3A_13 = arith.constant 0 : index
    %get3A_14 = vector.load %arg2[%get3A_12, %get3A_13] : memref<256x16xi32, #tpu.memory_space<vmem>>, vector<256x1xi32>
    %get3A_15 = vector.shape_cast %get3A_14 : vector<256x1xi32> to vector<256xi32>
    %reshape3A = vector.shape_cast %get3A_15 : vector<256xi32> to vector<256x1xi32>
    %ge3A = arith.constant 2 : i32
    %ge3A_16 = vector.broadcast %ge3A : i32 to vector<256x1xi32>
    %ge3A_17 = arith.cmpi sge, %reshape3A, %ge3A_16 : vector<256x1xi32>
    %broadcast_in_dim3A = vector.shape_cast %ge3A_17 : vector<256x1xi1> to vector<256x1xi1>
    %broadcast_in_dim3A_18 = vector.broadcast %broadcast_in_dim3A : vector<256x1xi1> to vector<256x64xi1>
    %select_n3A = arith.select %broadcast_in_dim3A_18, %get3A_11, %get3A_6 : vector<256x64xi1>, vector<256x64xi32>
    %bitcast_convert_type3A = tpu.bitcast %select_n3A : vector<256x64xi32> -> vector<256x64xi32>
    %and3A = arith.constant 1 : i32
    %and3A_19 = vector.broadcast %and3A : i32 to vector<256x1xi32>
    %and3A_20 = arith.andi %reshape3A, %and3A_19 : vector<256x1xi32>
    %eq3A = arith.constant 1 : i32
    %eq3A_21 = vector.broadcast %eq3A : i32 to vector<256x1xi32>
    %eq3A_22 = arith.cmpi eq, %and3A_20, %eq3A_21 : vector<256x1xi32>
    %and3A_23 = arith.constant -65536 : i32
    %and3A_24 = vector.broadcast %and3A_23 : i32 to vector<256x64xi32>
    %and3A_25 = arith.andi %bitcast_convert_type3A, %and3A_24 : vector<256x64xi32>
    %shift_left3A = arith.constant 16 : i32
    %shift_left3A_26 = vector.broadcast %shift_left3A : i32 to vector<256x64xi32>
    %shift_left3A_27 = arith.shli %bitcast_convert_type3A, %shift_left3A_26 : vector<256x64xi32>
    %broadcast_in_dim3A_28 = vector.shape_cast %eq3A_22 : vector<256x1xi1> to vector<256x1xi1>
    %broadcast_in_dim3A_29 = vector.broadcast %broadcast_in_dim3A_28 : vector<256x1xi1> to vector<256x64xi1>
    %select_n3A_30 = arith.select %broadcast_in_dim3A_29, %and3A_25, %shift_left3A_27 : vector<256x64xi1>, vector<256x64xi32>
    %bitcast_convert_type3A_31 = tpu.bitcast %select_n3A_30 : vector<256x64xi32> -> vector<256x64xf32>
    %dot_general3A = arith.constant dense<0.000000e+00> : vector<256x512xf32>
    %dot_general3A_32 = tpu.matmul %bitcast_convert_type3A_31, %get3A_1, %dot_general3A {dimension_numbers = #tpu.dot_dimension_numbers<[1], [0], [0], [1], [0, 0, 1, 1], [], []>, transpose_lhs_hint = false} : vector<256x64xf32>, vector<64x512xf32>, vector<256x512xf32> -> vector<256x512xf32>
    %get3A_33 = arith.constant 0 : index
    %get3A_34 = arith.constant 1 : index
    %get3A_35 = arith.constant 0 : index
    %get3A_36 = vector.load %arg1[%get3A_33, %get3A_34, %get3A_35] : memref<256x16x128xi32, #tpu.memory_space<vmem>>, vector<256x1x64xi32>
    %get3A_37 = vector.shape_cast %get3A_36 : vector<256x1x64xi32> to vector<256x64xi32>
    %get3A_38 = arith.constant 0 : index
    %get3A_39 = arith.constant 1 : index
    %get3A_40 = arith.constant 64 : index
    %get3A_41 = vector.load %arg1[%get3A_38, %get3A_39, %get3A_40] : memref<256x16x128xi32, #tpu.memory_space<vmem>>, vector<256x1x64xi32>
    %get3A_42 = vector.shape_cast %get3A_41 : vector<256x1x64xi32> to vector<256x64xi32>
    %get3A_43 = arith.constant 0 : index
    %get3A_44 = arith.constant 1 : index
    %get3A_45 = vector.load %arg2[%get3A_43, %get3A_44] : memref<256x16xi32, #tpu.memory_space<vmem>>, vector<256x1xi32>
    %get3A_46 = vector.shape_cast %get3A_45 : vector<256x1xi32> to vector<256xi32>
    %reshape3A_47 = vector.shape_cast %get3A_46 : vector<256xi32> to vector<256x1xi32>
    %ge3A_48 = arith.constant 2 : i32
    %ge3A_49 = vector.broadcast %ge3A_48 : i32 to vector<256x1xi32>
    %ge3A_50 = arith.cmpi sge, %reshape3A_47, %ge3A_49 : vector<256x1xi32>
    %broadcast_in_dim3A_51 = vector.shape_cast %ge3A_50 : vector<256x1xi1> to vector<256x1xi1>
    %broadcast_in_dim3A_52 = vector.broadcast %broadcast_in_dim3A_51 : vector<256x1xi1> to vector<256x64xi1>
    %select_n3A_53 = arith.select %broadcast_in_dim3A_52, %get3A_42, %get3A_37 : vector<256x64xi1>, vector<256x64xi32>
    %bitcast_convert_type3A_54 = tpu.bitcast %select_n3A_53 : vector<256x64xi32> -> vector<256x64xi32>
    %and3A_55 = arith.constant 1 : i32
    %and3A_56 = vector.broadcast %and3A_55 : i32 to vector<256x1xi32>
    %and3A_57 = arith.andi %reshape3A_47, %and3A_56 : vector<256x1xi32>
    %eq3A_58 = arith.constant 1 : i32
    %eq3A_59 = vector.broadcast %eq3A_58 : i32 to vector<256x1xi32>
    %eq3A_60 = arith.cmpi eq, %and3A_57, %eq3A_59 : vector<256x1xi32>
    %and3A_61 = arith.constant -65536 : i32
    %and3A_62 = vector.broadcast %and3A_61 : i32 to vector<256x64xi32>
    %and3A_63 = arith.andi %bitcast_convert_type3A_54, %and3A_62 : vector<256x64xi32>
    %shift_left3A_64 = arith.constant 16 : i32
    %shift_left3A_65 = vector.broadcast %shift_left3A_64 : i32 to vector<256x64xi32>
    %shift_left3A_66 = arith.shli %bitcast_convert_type3A_54, %shift_left3A_65 : vector<256x64xi32>
    %broadcast_in_dim3A_67 = vector.shape_cast %eq3A_60 : vector<256x1xi1> to vector<256x1xi1>
    %broadcast_in_dim3A_68 = vector.broadcast %broadcast_in_dim3A_67 : vector<256x1xi1> to vector<256x64xi1>
    %select_n3A_69 = arith.select %broadcast_in_dim3A_68, %and3A_63, %shift_left3A_66 : vector<256x64xi1>, vector<256x64xi32>
    %bitcast_convert_type3A_70 = tpu.bitcast %select_n3A_69 : vector<256x64xi32> -> vector<256x64xf32>
    %dot_general3A_71 = arith.constant dense<0.000000e+00> : vector<256x512xf32>
    %dot_general3A_72 = tpu.matmul %bitcast_convert_type3A_70, %get3A_1, %dot_general3A_71 {dimension_numbers = #tpu.dot_dimension_numbers<[1], [0], [0], [1], [0, 0, 1, 1], [], []>, transpose_lhs_hint = false} : vector<256x64xf32>, vector<64x512xf32>, vector<256x512xf32> -> vector<256x512xf32>
    %max3A = arith.maximumf %dot_general3A_32, %dot_general3A_72 : vector<256x512xf32>
    %get3A_73 = arith.constant 0 : index
    %get3A_74 = arith.constant 2 : index
    %get3A_75 = arith.constant 0 : index
    %get3A_76 = vector.load %arg1[%get3A_73, %get3A_74, %get3A_75] : memref<256x16x128xi32, #tpu.memory_space<vmem>>, vector<256x1x64xi32>
    %get3A_77 = vector.shape_cast %get3A_76 : vector<256x1x64xi32> to vector<256x64xi32>
    %get3A_78 = arith.constant 0 : index
    %get3A_79 = arith.constant 2 : index
    %get3A_80 = arith.constant 64 : index
    %get3A_81 = vector.load %arg1[%get3A_78, %get3A_79, %get3A_80] : memref<256x16x128xi32, #tpu.memory_space<vmem>>, vector<256x1x64xi32>
    %get3A_82 = vector.shape_cast %get3A_81 : vector<256x1x64xi32> to vector<256x64xi32>
    %get3A_83 = arith.constant 0 : index
    %get3A_84 = arith.constant 2 : index
    %get3A_85 = vector.load %arg2[%get3A_83, %get3A_84] : memref<256x16xi32, #tpu.memory_space<vmem>>, vector<256x1xi32>
    %get3A_86 = vector.shape_cast %get3A_85 : vector<256x1xi32> to vector<256xi32>
    %reshape3A_87 = vector.shape_cast %get3A_86 : vector<256xi32> to vector<256x1xi32>
    %ge3A_88 = arith.constant 2 : i32
    %ge3A_89 = vector.broadcast %ge3A_88 : i32 to vector<256x1xi32>
    %ge3A_90 = arith.cmpi sge, %reshape3A_87, %ge3A_89 : vector<256x1xi32>
    %broadcast_in_dim3A_91 = vector.shape_cast %ge3A_90 : vector<256x1xi1> to vector<256x1xi1>
    %broadcast_in_dim3A_92 = vector.broadcast %broadcast_in_dim3A_91 : vector<256x1xi1> to vector<256x64xi1>
    %select_n3A_93 = arith.select %broadcast_in_dim3A_92, %get3A_82, %get3A_77 : vector<256x64xi1>, vector<256x64xi32>
    %bitcast_convert_type3A_94 = tpu.bitcast %select_n3A_93 : vector<256x64xi32> -> vector<256x64xi32>
    %and3A_95 = arith.constant 1 : i32
    %and3A_96 = vector.broadcast %and3A_95 : i32 to vector<256x1xi32>
    %and3A_97 = arith.andi %reshape3A_87, %and3A_96 : vector<256x1xi32>
    %eq3A_98 = arith.constant 1 : i32
    %eq3A_99 = vector.broadcast %eq3A_98 : i32 to vector<256x1xi32>
    %eq3A_100 = arith.cmpi eq, %and3A_97, %eq3A_99 : vector<256x1xi32>
    %and3A_101 = arith.constant -65536 : i32
    %and3A_102 = vector.broadcast %and3A_101 : i32 to vector<256x64xi32>
    %and3A_103 = arith.andi %bitcast_convert_type3A_94, %and3A_102 : vector<256x64xi32>
    %shift_left3A_104 = arith.constant 16 : i32
    %shift_left3A_105 = vector.broadcast %shift_left3A_104 : i32 to vector<256x64xi32>
    %shift_left3A_106 = arith.shli %bitcast_convert_type3A_94, %shift_left3A_105 : vector<256x64xi32>
    %broadcast_in_dim3A_107 = vector.shape_cast %eq3A_100 : vector<256x1xi1> to vector<256x1xi1>
    %broadcast_in_dim3A_108 = vector.broadcast %broadcast_in_dim3A_107 : vector<256x1xi1> to vector<256x64xi1>
    %select_n3A_109 = arith.select %broadcast_in_dim3A_108, %and3A_103, %shift_left3A_106 : vector<256x64xi1>, vector<256x64xi32>
    %bitcast_convert_type3A_110 = tpu.bitcast %select_n3A_109 : vector<256x64xi32> -> vector<256x64xf32>
    %dot_general3A_111 = arith.constant dense<0.000000e+00> : vector<256x512xf32>
    %dot_general3A_112 = tpu.matmul %bitcast_convert_type3A_110, %get3A_1, %dot_general3A_111 {dimension_numbers = #tpu.dot_dimension_numbers<[1], [0], [0], [1], [0, 0, 1, 1], [], []>, transpose_lhs_hint = false} : vector<256x64xf32>, vector<64x512xf32>, vector<256x512xf32> -> vector<256x512xf32>
    %max3A_113 = arith.maximumf %max3A, %dot_general3A_112 : vector<256x512xf32>
    %get3A_114 = arith.constant 0 : index
    %get3A_115 = arith.constant 3 : index
    %get3A_116 = arith.constant 0 : index
    %get3A_117 = vector.load %arg1[%get3A_114, %get3A_115, %get3A_116] : memref<256x16x128xi32, #tpu.memory_space<vmem>>, vector<256x1x64xi32>
    %get3A_118 = vector.shape_cast %get3A_117 : vector<256x1x64xi32> to vector<256x64xi32>
    %get3A_119 = arith.constant 0 : index
    %get3A_120 = arith.constant 3 : index
    %get3A_121 = arith.constant 64 : index
    %get3A_122 = vector.load %arg1[%get3A_119, %get3A_120, %get3A_121] : memref<256x16x128xi32, #tpu.memory_space<vmem>>, vector<256x1x64xi32>
    %get3A_123 = vector.shape_cast %get3A_122 : vector<256x1x64xi32> to vector<256x64xi32>
    %get3A_124 = arith.constant 0 : index
    %get3A_125 = arith.constant 3 : index
    %get3A_126 = vector.load %arg2[%get3A_124, %get3A_125] : memref<256x16xi32, #tpu.memory_space<vmem>>, vector<256x1xi32>
    %get3A_127 = vector.shape_cast %get3A_126 : vector<256x1xi32> to vector<256xi32>
    %reshape3A_128 = vector.shape_cast %get3A_127 : vector<256xi32> to vector<256x1xi32>
    %ge3A_129 = arith.constant 2 : i32
    %ge3A_130 = vector.broadcast %ge3A_129 : i32 to vector<256x1xi32>
    %ge3A_131 = arith.cmpi sge, %reshape3A_128, %ge3A_130 : vector<256x1xi32>
    %broadcast_in_dim3A_132 = vector.shape_cast %ge3A_131 : vector<256x1xi1> to vector<256x1xi1>
    %broadcast_in_dim3A_133 = vector.broadcast %broadcast_in_dim3A_132 : vector<256x1xi1> to vector<256x64xi1>
    %select_n3A_134 = arith.select %broadcast_in_dim3A_133, %get3A_123, %get3A_118 : vector<256x64xi1>, vector<256x64xi32>
    %bitcast_convert_type3A_135 = tpu.bitcast %select_n3A_134 : vector<256x64xi32> -> vector<256x64xi32>
    %and3A_136 = arith.constant 1 : i32
    %and3A_137 = vector.broadcast %and3A_136 : i32 to vector<256x1xi32>
    %and3A_138 = arith.andi %reshape3A_128, %and3A_137 : vector<256x1xi32>
    %eq3A_139 = arith.constant 1 : i32
    %eq3A_140 = vector.broadcast %eq3A_139 : i32 to vector<256x1xi32>
    %eq3A_141 = arith.cmpi eq, %and3A_138, %eq3A_140 : vector<256x1xi32>
    %and3A_142 = arith.constant -65536 : i32
    %and3A_143 = vector.broadcast %and3A_142 : i32 to vector<256x64xi32>
    %and3A_144 = arith.andi %bitcast_convert_type3A_135, %and3A_143 : vector<256x64xi32>
    %shift_left3A_145 = arith.constant 16 : i32
    %shift_left3A_146 = vector.broadcast %shift_left3A_145 : i32 to vector<256x64xi32>
    %shift_left3A_147 = arith.shli %bitcast_convert_type3A_135, %shift_left3A_146 : vector<256x64xi32>
    %broadcast_in_dim3A_148 = vector.shape_cast %eq3A_141 : vector<256x1xi1> to vector<256x1xi1>
    %broadcast_in_dim3A_149 = vector.broadcast %broadcast_in_dim3A_148 : vector<256x1xi1> to vector<256x64xi1>
    %select_n3A_150 = arith.select %broadcast_in_dim3A_149, %and3A_144, %shift_left3A_147 : vector<256x64xi1>, vector<256x64xi32>
    %bitcast_convert_type3A_151 = tpu.bitcast %select_n3A_150 : vector<256x64xi32> -> vector<256x64xf32>
    %dot_general3A_152 = arith.constant dense<0.000000e+00> : vector<256x512xf32>
    %dot_general3A_153 = tpu.matmul %bitcast_convert_type3A_151, %get3A_1, %dot_general3A_152 {dimension_numbers = #tpu.dot_dimension_numbers<[1], [0], [0], [1], [0, 0, 1, 1], [], []>, transpose_lhs_hint = false} : vector<256x64xf32>, vector<64x512xf32>, vector<256x512xf32> -> vector<256x512xf32>
    %max3A_154 = arith.maximumf %max3A_113, %dot_general3A_153 : vector<256x512xf32>
    %get3A_155 = arith.constant 0 : index
    %get3A_156 = arith.constant 4 : index
    %get3A_157 = arith.constant 0 : index
    %get3A_158 = vector.load %arg1[%get3A_155, %get3A_156, %get3A_157] : memref<256x16x128xi32, #tpu.memory_space<vmem>>, vector<256x1x64xi32>
    %get3A_159 = vector.shape_cast %get3A_158 : vector<256x1x64xi32> to vector<256x64xi32>
    %get3A_160 = arith.constant 0 : index
    %get3A_161 = arith.constant 4 : index
    %get3A_162 = arith.constant 64 : index
    %get3A_163 = vector.load %arg1[%get3A_160, %get3A_161, %get3A_162] : memref<256x16x128xi32, #tpu.memory_space<vmem>>, vector<256x1x64xi32>
    %get3A_164 = vector.shape_cast %get3A_163 : vector<256x1x64xi32> to vector<256x64xi32>
    %get3A_165 = arith.constant 0 : index
    %get3A_166 = arith.constant 4 : index
    %get3A_167 = vector.load %arg2[%get3A_165, %get3A_166] : memref<256x16xi32, #tpu.memory_space<vmem>>, vector<256x1xi32>
    %get3A_168 = vector.shape_cast %get3A_167 : vector<256x1xi32> to vector<256xi32>
    %reshape3A_169 = vector.shape_cast %get3A_168 : vector<256xi32> to vector<256x1xi32>
    %ge3A_170 = arith.constant 2 : i32
    %ge3A_171 = vector.broadcast %ge3A_170 : i32 to vector<256x1xi32>
    %ge3A_172 = arith.cmpi sge, %reshape3A_169, %ge3A_171 : vector<256x1xi32>
    %broadcast_in_dim3A_173 = vector.shape_cast %ge3A_172 : vector<256x1xi1> to vector<256x1xi1>
    %broadcast_in_dim3A_174 = vector.broadcast %broadcast_in_dim3A_173 : vector<256x1xi1> to vector<256x64xi1>
    %select_n3A_175 = arith.select %broadcast_in_dim3A_174, %get3A_164, %get3A_159 : vector<256x64xi1>, vector<256x64xi32>
    %bitcast_convert_type3A_176 = tpu.bitcast %select_n3A_175 : vector<256x64xi32> -> vector<256x64xi32>
    %and3A_177 = arith.constant 1 : i32
    %and3A_178 = vector.broadcast %and3A_177 : i32 to vector<256x1xi32>
    %and3A_179 = arith.andi %reshape3A_169, %and3A_178 : vector<256x1xi32>
    %eq3A_180 = arith.constant 1 : i32
    %eq3A_181 = vector.broadcast %eq3A_180 : i32 to vector<256x1xi32>
    %eq3A_182 = arith.cmpi eq, %and3A_179, %eq3A_181 : vector<256x1xi32>
    %and3A_183 = arith.constant -65536 : i32
    %and3A_184 = vector.broadcast %and3A_183 : i32 to vector<256x64xi32>
    %and3A_185 = arith.andi %bitcast_convert_type3A_176, %and3A_184 : vector<256x64xi32>
    %shift_left3A_186 = arith.constant 16 : i32
    %shift_left3A_187 = vector.broadcast %shift_left3A_186 : i32 to vector<256x64xi32>
    %shift_left3A_188 = arith.shli %bitcast_convert_type3A_176, %shift_left3A_187 : vector<256x64xi32>
    %broadcast_in_dim3A_189 = vector.shape_cast %eq3A_182 : vector<256x1xi1> to vector<256x1xi1>
    %broadcast_in_dim3A_190 = vector.broadcast %broadcast_in_dim3A_189 : vector<256x1xi1> to vector<256x64xi1>
    %select_n3A_191 = arith.select %broadcast_in_dim3A_190, %and3A_185, %shift_left3A_188 : vector<256x64xi1>, vector<256x64xi32>
    %bitcast_convert_type3A_192 = tpu.bitcast %select_n3A_191 : vector<256x64xi32> -> vector<256x64xf32>
    %dot_general3A_193 = arith.constant dense<0.000000e+00> : vector<256x512xf32>
    %dot_general3A_194 = tpu.matmul %bitcast_convert_type3A_192, %get3A_1, %dot_general3A_193 {dimension_numbers = #tpu.dot_dimension_numbers<[1], [0], [0], [1], [0, 0, 1, 1], [], []>, transpose_lhs_hint = false} : vector<256x64xf32>, vector<64x512xf32>, vector<256x512xf32> -> vector<256x512xf32>
    %max3A_195 = arith.maximumf %max3A_154, %dot_general3A_194 : vector<256x512xf32>
    %get3A_196 = arith.constant 0 : index
    %get3A_197 = arith.constant 5 : index
    %get3A_198 = arith.constant 0 : index
    %get3A_199 = vector.load %arg1[%get3A_196, %get3A_197, %get3A_198] : memref<256x16x128xi32, #tpu.memory_space<vmem>>, vector<256x1x64xi32>
    %get3A_200 = vector.shape_cast %get3A_199 : vector<256x1x64xi32> to vector<256x64xi32>
    %get3A_201 = arith.constant 0 : index
    %get3A_202 = arith.constant 5 : index
    %get3A_203 = arith.constant 64 : index
    %get3A_204 = vector.load %arg1[%get3A_201, %get3A_202, %get3A_203] : memref<256x16x128xi32, #tpu.memory_space<vmem>>, vector<256x1x64xi32>
    %get3A_205 = vector.shape_cast %get3A_204 : vector<256x1x64xi32> to vector<256x64xi32>
    %get3A_206 = arith.constant 0 : index
    %get3A_207 = arith.constant 5 : index
    %get3A_208 = vector.load %arg2[%get3A_206, %get3A_207] : memref<256x16xi32, #tpu.memory_space<vmem>>, vector<256x1xi32>
    %get3A_209 = vector.shape_cast %get3A_208 : vector<256x1xi32> to vector<256xi32>
    %reshape3A_210 = vector.shape_cast %get3A_209 : vector<256xi32> to vector<256x1xi32>
    %ge3A_211 = arith.constant 2 : i32
    %ge3A_212 = vector.broadcast %ge3A_211 : i32 to vector<256x1xi32>
    %ge3A_213 = arith.cmpi sge, %reshape3A_210, %ge3A_212 : vector<256x1xi32>
    %broadcast_in_dim3A_214 = vector.shape_cast %ge3A_213 : vector<256x1xi1> to vector<256x1xi1>
    %broadcast_in_dim3A_215 = vector.broadcast %broadcast_in_dim3A_214 : vector<256x1xi1> to vector<256x64xi1>
    %select_n3A_216 = arith.select %broadcast_in_dim3A_215, %get3A_205, %get3A_200 : vector<256x64xi1>, vector<256x64xi32>
    %bitcast_convert_type3A_217 = tpu.bitcast %select_n3A_216 : vector<256x64xi32> -> vector<256x64xi32>
    %and3A_218 = arith.constant 1 : i32
    %and3A_219 = vector.broadcast %and3A_218 : i32 to vector<256x1xi32>
    %and3A_220 = arith.andi %reshape3A_210, %and3A_219 : vector<256x1xi32>
    %eq3A_221 = arith.constant 1 : i32
    %eq3A_222 = vector.broadcast %eq3A_221 : i32 to vector<256x1xi32>
    %eq3A_223 = arith.cmpi eq, %and3A_220, %eq3A_222 : vector<256x1xi32>
    %and3A_224 = arith.constant -65536 : i32
    %and3A_225 = vector.broadcast %and3A_224 : i32 to vector<256x64xi32>
    %and3A_226 = arith.andi %bitcast_convert_type3A_217, %and3A_225 : vector<256x64xi32>
    %shift_left3A_227 = arith.constant 16 : i32
    %shift_left3A_228 = vector.broadcast %shift_left3A_227 : i32 to vector<256x64xi32>
    %shift_left3A_229 = arith.shli %bitcast_convert_type3A_217, %shift_left3A_228 : vector<256x64xi32>
    %broadcast_in_dim3A_230 = vector.shape_cast %eq3A_223 : vector<256x1xi1> to vector<256x1xi1>
    %broadcast_in_dim3A_231 = vector.broadcast %broadcast_in_dim3A_230 : vector<256x1xi1> to vector<256x64xi1>
    %select_n3A_232 = arith.select %broadcast_in_dim3A_231, %and3A_226, %shift_left3A_229 : vector<256x64xi1>, vector<256x64xi32>
    %bitcast_convert_type3A_233 = tpu.bitcast %select_n3A_232 : vector<256x64xi32> -> vector<256x64xf32>
    %dot_general3A_234 = arith.constant dense<0.000000e+00> : vector<256x512xf32>
    %dot_general3A_235 = tpu.matmul %bitcast_convert_type3A_233, %get3A_1, %dot_general3A_234 {dimension_numbers = #tpu.dot_dimension_numbers<[1], [0], [0], [1], [0, 0, 1, 1], [], []>, transpose_lhs_hint = false} : vector<256x64xf32>, vector<64x512xf32>, vector<256x512xf32> -> vector<256x512xf32>
    %max3A_236 = arith.maximumf %max3A_195, %dot_general3A_235 : vector<256x512xf32>
    %get3A_237 = arith.constant 0 : index
    %get3A_238 = arith.constant 6 : index
    %get3A_239 = arith.constant 0 : index
    %get3A_240 = vector.load %arg1[%get3A_237, %get3A_238, %get3A_239] : memref<256x16x128xi32, #tpu.memory_space<vmem>>, vector<256x1x64xi32>
    %get3A_241 = vector.shape_cast %get3A_240 : vector<256x1x64xi32> to vector<256x64xi32>
    %get3A_242 = arith.constant 0 : index
    %get3A_243 = arith.constant 6 : index
    %get3A_244 = arith.constant 64 : index
    %get3A_245 = vector.load %arg1[%get3A_242, %get3A_243, %get3A_244] : memref<256x16x128xi32, #tpu.memory_space<vmem>>, vector<256x1x64xi32>
    %get3A_246 = vector.shape_cast %get3A_245 : vector<256x1x64xi32> to vector<256x64xi32>
    %get3A_247 = arith.constant 0 : index
    %get3A_248 = arith.constant 6 : index
    %get3A_249 = vector.load %arg2[%get3A_247, %get3A_248] : memref<256x16xi32, #tpu.memory_space<vmem>>, vector<256x1xi32>
    %get3A_250 = vector.shape_cast %get3A_249 : vector<256x1xi32> to vector<256xi32>
    %reshape3A_251 = vector.shape_cast %get3A_250 : vector<256xi32> to vector<256x1xi32>
    %ge3A_252 = arith.constant 2 : i32
    %ge3A_253 = vector.broadcast %ge3A_252 : i32 to vector<256x1xi32>
    %ge3A_254 = arith.cmpi sge, %reshape3A_251, %ge3A_253 : vector<256x1xi32>
    %broadcast_in_dim3A_255 = vector.shape_cast %ge3A_254 : vector<256x1xi1> to vector<256x1xi1>
    %broadcast_in_dim3A_256 = vector.broadcast %broadcast_in_dim3A_255 : vector<256x1xi1> to vector<256x64xi1>
    %select_n3A_257 = arith.select %broadcast_in_dim3A_256, %get3A_246, %get3A_241 : vector<256x64xi1>, vector<256x64xi32>
    %bitcast_convert_type3A_258 = tpu.bitcast %select_n3A_257 : vector<256x64xi32> -> vector<256x64xi32>
    %and3A_259 = arith.constant 1 : i32
    %and3A_260 = vector.broadcast %and3A_259 : i32 to vector<256x1xi32>
    %and3A_261 = arith.andi %reshape3A_251, %and3A_260 : vector<256x1xi32>
    %eq3A_262 = arith.constant 1 : i32
    %eq3A_263 = vector.broadcast %eq3A_262 : i32 to vector<256x1xi32>
    %eq3A_264 = arith.cmpi eq, %and3A_261, %eq3A_263 : vector<256x1xi32>
    %and3A_265 = arith.constant -65536 : i32
    %and3A_266 = vector.broadcast %and3A_265 : i32 to vector<256x64xi32>
    %and3A_267 = arith.andi %bitcast_convert_type3A_258, %and3A_266 : vector<256x64xi32>
    %shift_left3A_268 = arith.constant 16 : i32
    %shift_left3A_269 = vector.broadcast %shift_left3A_268 : i32 to vector<256x64xi32>
    %shift_left3A_270 = arith.shli %bitcast_convert_type3A_258, %shift_left3A_269 : vector<256x64xi32>
    %broadcast_in_dim3A_271 = vector.shape_cast %eq3A_264 : vector<256x1xi1> to vector<256x1xi1>
    %broadcast_in_dim3A_272 = vector.broadcast %broadcast_in_dim3A_271 : vector<256x1xi1> to vector<256x64xi1>
    %select_n3A_273 = arith.select %broadcast_in_dim3A_272, %and3A_267, %shift_left3A_270 : vector<256x64xi1>, vector<256x64xi32>
    %bitcast_convert_type3A_274 = tpu.bitcast %select_n3A_273 : vector<256x64xi32> -> vector<256x64xf32>
    %dot_general3A_275 = arith.constant dense<0.000000e+00> : vector<256x512xf32>
    %dot_general3A_276 = tpu.matmul %bitcast_convert_type3A_274, %get3A_1, %dot_general3A_275 {dimension_numbers = #tpu.dot_dimension_numbers<[1], [0], [0], [1], [0, 0, 1, 1], [], []>, transpose_lhs_hint = false} : vector<256x64xf32>, vector<64x512xf32>, vector<256x512xf32> -> vector<256x512xf32>
    %max3A_277 = arith.maximumf %max3A_236, %dot_general3A_276 : vector<256x512xf32>
    %get3A_278 = arith.constant 0 : index
    %get3A_279 = arith.constant 7 : index
    %get3A_280 = arith.constant 0 : index
    %get3A_281 = vector.load %arg1[%get3A_278, %get3A_279, %get3A_280] : memref<256x16x128xi32, #tpu.memory_space<vmem>>, vector<256x1x64xi32>
    %get3A_282 = vector.shape_cast %get3A_281 : vector<256x1x64xi32> to vector<256x64xi32>
    %get3A_283 = arith.constant 0 : index
    %get3A_284 = arith.constant 7 : index
    %get3A_285 = arith.constant 64 : index
    %get3A_286 = vector.load %arg1[%get3A_283, %get3A_284, %get3A_285] : memref<256x16x128xi32, #tpu.memory_space<vmem>>, vector<256x1x64xi32>
    %get3A_287 = vector.shape_cast %get3A_286 : vector<256x1x64xi32> to vector<256x64xi32>
    %get3A_288 = arith.constant 0 : index
    %get3A_289 = arith.constant 7 : index
    %get3A_290 = vector.load %arg2[%get3A_288, %get3A_289] : memref<256x16xi32, #tpu.memory_space<vmem>>, vector<256x1xi32>
    %get3A_291 = vector.shape_cast %get3A_290 : vector<256x1xi32> to vector<256xi32>
    %reshape3A_292 = vector.shape_cast %get3A_291 : vector<256xi32> to vector<256x1xi32>
    %ge3A_293 = arith.constant 2 : i32
    %ge3A_294 = vector.broadcast %ge3A_293 : i32 to vector<256x1xi32>
    %ge3A_295 = arith.cmpi sge, %reshape3A_292, %ge3A_294 : vector<256x1xi32>
    %broadcast_in_dim3A_296 = vector.shape_cast %ge3A_295 : vector<256x1xi1> to vector<256x1xi1>
    %broadcast_in_dim3A_297 = vector.broadcast %broadcast_in_dim3A_296 : vector<256x1xi1> to vector<256x64xi1>
    %select_n3A_298 = arith.select %broadcast_in_dim3A_297, %get3A_287, %get3A_282 : vector<256x64xi1>, vector<256x64xi32>
    %bitcast_convert_type3A_299 = tpu.bitcast %select_n3A_298 : vector<256x64xi32> -> vector<256x64xi32>
    %and3A_300 = arith.constant 1 : i32
    %and3A_301 = vector.broadcast %and3A_300 : i32 to vector<256x1xi32>
    %and3A_302 = arith.andi %reshape3A_292, %and3A_301 : vector<256x1xi32>
    %eq3A_303 = arith.constant 1 : i32
    %eq3A_304 = vector.broadcast %eq3A_303 : i32 to vector<256x1xi32>
    %eq3A_305 = arith.cmpi eq, %and3A_302, %eq3A_304 : vector<256x1xi32>
    %and3A_306 = arith.constant -65536 : i32
    %and3A_307 = vector.broadcast %and3A_306 : i32 to vector<256x64xi32>
    %and3A_308 = arith.andi %bitcast_convert_type3A_299, %and3A_307 : vector<256x64xi32>
    %shift_left3A_309 = arith.constant 16 : i32
    %shift_left3A_310 = vector.broadcast %shift_left3A_309 : i32 to vector<256x64xi32>
    %shift_left3A_311 = arith.shli %bitcast_convert_type3A_299, %shift_left3A_310 : vector<256x64xi32>
    %broadcast_in_dim3A_312 = vector.shape_cast %eq3A_305 : vector<256x1xi1> to vector<256x1xi1>
    %broadcast_in_dim3A_313 = vector.broadcast %broadcast_in_dim3A_312 : vector<256x1xi1> to vector<256x64xi1>
    %select_n3A_314 = arith.select %broadcast_in_dim3A_313, %and3A_308, %shift_left3A_311 : vector<256x64xi1>, vector<256x64xi32>
    %bitcast_convert_type3A_315 = tpu.bitcast %select_n3A_314 : vector<256x64xi32> -> vector<256x64xf32>
    %dot_general3A_316 = arith.constant dense<0.000000e+00> : vector<256x512xf32>
    %dot_general3A_317 = tpu.matmul %bitcast_convert_type3A_315, %get3A_1, %dot_general3A_316 {dimension_numbers = #tpu.dot_dimension_numbers<[1], [0], [0], [1], [0, 0, 1, 1], [], []>, transpose_lhs_hint = false} : vector<256x64xf32>, vector<64x512xf32>, vector<256x512xf32> -> vector<256x512xf32>
    %max3A_318 = arith.maximumf %max3A_277, %dot_general3A_317 : vector<256x512xf32>
    %get3A_319 = arith.constant 0 : index
    %get3A_320 = arith.constant 8 : index
    %get3A_321 = arith.constant 0 : index
    %get3A_322 = vector.load %arg1[%get3A_319, %get3A_320, %get3A_321] : memref<256x16x128xi32, #tpu.memory_space<vmem>>, vector<256x1x64xi32>
    %get3A_323 = vector.shape_cast %get3A_322 : vector<256x1x64xi32> to vector<256x64xi32>
    %get3A_324 = arith.constant 0 : index
    %get3A_325 = arith.constant 8 : index
    %get3A_326 = arith.constant 64 : index
    %get3A_327 = vector.load %arg1[%get3A_324, %get3A_325, %get3A_326] : memref<256x16x128xi32, #tpu.memory_space<vmem>>, vector<256x1x64xi32>
    %get3A_328 = vector.shape_cast %get3A_327 : vector<256x1x64xi32> to vector<256x64xi32>
    %get3A_329 = arith.constant 0 : index
    %get3A_330 = arith.constant 8 : index
    %get3A_331 = vector.load %arg2[%get3A_329, %get3A_330] : memref<256x16xi32, #tpu.memory_space<vmem>>, vector<256x1xi32>
    %get3A_332 = vector.shape_cast %get3A_331 : vector<256x1xi32> to vector<256xi32>
    %reshape3A_333 = vector.shape_cast %get3A_332 : vector<256xi32> to vector<256x1xi32>
    %ge3A_334 = arith.constant 2 : i32
    %ge3A_335 = vector.broadcast %ge3A_334 : i32 to vector<256x1xi32>
    %ge3A_336 = arith.cmpi sge, %reshape3A_333, %ge3A_335 : vector<256x1xi32>
    %broadcast_in_dim3A_337 = vector.shape_cast %ge3A_336 : vector<256x1xi1> to vector<256x1xi1>
    %broadcast_in_dim3A_338 = vector.broadcast %broadcast_in_dim3A_337 : vector<256x1xi1> to vector<256x64xi1>
    %select_n3A_339 = arith.select %broadcast_in_dim3A_338, %get3A_328, %get3A_323 : vector<256x64xi1>, vector<256x64xi32>
    %bitcast_convert_type3A_340 = tpu.bitcast %select_n3A_339 : vector<256x64xi32> -> vector<256x64xi32>
    %and3A_341 = arith.constant 1 : i32
    %and3A_342 = vector.broadcast %and3A_341 : i32 to vector<256x1xi32>
    %and3A_343 = arith.andi %reshape3A_333, %and3A_342 : vector<256x1xi32>
    %eq3A_344 = arith.constant 1 : i32
    %eq3A_345 = vector.broadcast %eq3A_344 : i32 to vector<256x1xi32>
    %eq3A_346 = arith.cmpi eq, %and3A_343, %eq3A_345 : vector<256x1xi32>
    %and3A_347 = arith.constant -65536 : i32
    %and3A_348 = vector.broadcast %and3A_347 : i32 to vector<256x64xi32>
    %and3A_349 = arith.andi %bitcast_convert_type3A_340, %and3A_348 : vector<256x64xi32>
    %shift_left3A_350 = arith.constant 16 : i32
    %shift_left3A_351 = vector.broadcast %shift_left3A_350 : i32 to vector<256x64xi32>
    %shift_left3A_352 = arith.shli %bitcast_convert_type3A_340, %shift_left3A_351 : vector<256x64xi32>
    %broadcast_in_dim3A_353 = vector.shape_cast %eq3A_346 : vector<256x1xi1> to vector<256x1xi1>
    %broadcast_in_dim3A_354 = vector.broadcast %broadcast_in_dim3A_353 : vector<256x1xi1> to vector<256x64xi1>
    %select_n3A_355 = arith.select %broadcast_in_dim3A_354, %and3A_349, %shift_left3A_352 : vector<256x64xi1>, vector<256x64xi32>
    %bitcast_convert_type3A_356 = tpu.bitcast %select_n3A_355 : vector<256x64xi32> -> vector<256x64xf32>
    %dot_general3A_357 = arith.constant dense<0.000000e+00> : vector<256x512xf32>
    %dot_general3A_358 = tpu.matmul %bitcast_convert_type3A_356, %get3A_1, %dot_general3A_357 {dimension_numbers = #tpu.dot_dimension_numbers<[1], [0], [0], [1], [0, 0, 1, 1], [], []>, transpose_lhs_hint = false} : vector<256x64xf32>, vector<64x512xf32>, vector<256x512xf32> -> vector<256x512xf32>
    %max3A_359 = arith.maximumf %max3A_318, %dot_general3A_358 : vector<256x512xf32>
    %get3A_360 = arith.constant 0 : index
    %get3A_361 = arith.constant 9 : index
    %get3A_362 = arith.constant 0 : index
    %get3A_363 = vector.load %arg1[%get3A_360, %get3A_361, %get3A_362] : memref<256x16x128xi32, #tpu.memory_space<vmem>>, vector<256x1x64xi32>
    %get3A_364 = vector.shape_cast %get3A_363 : vector<256x1x64xi32> to vector<256x64xi32>
    %get3A_365 = arith.constant 0 : index
    %get3A_366 = arith.constant 9 : index
    %get3A_367 = arith.constant 64 : index
    %get3A_368 = vector.load %arg1[%get3A_365, %get3A_366, %get3A_367] : memref<256x16x128xi32, #tpu.memory_space<vmem>>, vector<256x1x64xi32>
    %get3A_369 = vector.shape_cast %get3A_368 : vector<256x1x64xi32> to vector<256x64xi32>
    %get3A_370 = arith.constant 0 : index
    %get3A_371 = arith.constant 9 : index
    %get3A_372 = vector.load %arg2[%get3A_370, %get3A_371] : memref<256x16xi32, #tpu.memory_space<vmem>>, vector<256x1xi32>
    %get3A_373 = vector.shape_cast %get3A_372 : vector<256x1xi32> to vector<256xi32>
    %reshape3A_374 = vector.shape_cast %get3A_373 : vector<256xi32> to vector<256x1xi32>
    %ge3A_375 = arith.constant 2 : i32
    %ge3A_376 = vector.broadcast %ge3A_375 : i32 to vector<256x1xi32>
    %ge3A_377 = arith.cmpi sge, %reshape3A_374, %ge3A_376 : vector<256x1xi32>
    %broadcast_in_dim3A_378 = vector.shape_cast %ge3A_377 : vector<256x1xi1> to vector<256x1xi1>
    %broadcast_in_dim3A_379 = vector.broadcast %broadcast_in_dim3A_378 : vector<256x1xi1> to vector<256x64xi1>
    %select_n3A_380 = arith.select %broadcast_in_dim3A_379, %get3A_369, %get3A_364 : vector<256x64xi1>, vector<256x64xi32>
    %bitcast_convert_type3A_381 = tpu.bitcast %select_n3A_380 : vector<256x64xi32> -> vector<256x64xi32>
    %and3A_382 = arith.constant 1 : i32
    %and3A_383 = vector.broadcast %and3A_382 : i32 to vector<256x1xi32>
    %and3A_384 = arith.andi %reshape3A_374, %and3A_383 : vector<256x1xi32>
    %eq3A_385 = arith.constant 1 : i32
    %eq3A_386 = vector.broadcast %eq3A_385 : i32 to vector<256x1xi32>
    %eq3A_387 = arith.cmpi eq, %and3A_384, %eq3A_386 : vector<256x1xi32>
    %and3A_388 = arith.constant -65536 : i32
    %and3A_389 = vector.broadcast %and3A_388 : i32 to vector<256x64xi32>
    %and3A_390 = arith.andi %bitcast_convert_type3A_381, %and3A_389 : vector<256x64xi32>
    %shift_left3A_391 = arith.constant 16 : i32
    %shift_left3A_392 = vector.broadcast %shift_left3A_391 : i32 to vector<256x64xi32>
    %shift_left3A_393 = arith.shli %bitcast_convert_type3A_381, %shift_left3A_392 : vector<256x64xi32>
    %broadcast_in_dim3A_394 = vector.shape_cast %eq3A_387 : vector<256x1xi1> to vector<256x1xi1>
    %broadcast_in_dim3A_395 = vector.broadcast %broadcast_in_dim3A_394 : vector<256x1xi1> to vector<256x64xi1>
    %select_n3A_396 = arith.select %broadcast_in_dim3A_395, %and3A_390, %shift_left3A_393 : vector<256x64xi1>, vector<256x64xi32>
    %bitcast_convert_type3A_397 = tpu.bitcast %select_n3A_396 : vector<256x64xi32> -> vector<256x64xf32>
    %dot_general3A_398 = arith.constant dense<0.000000e+00> : vector<256x512xf32>
    %dot_general3A_399 = tpu.matmul %bitcast_convert_type3A_397, %get3A_1, %dot_general3A_398 {dimension_numbers = #tpu.dot_dimension_numbers<[1], [0], [0], [1], [0, 0, 1, 1], [], []>, transpose_lhs_hint = false} : vector<256x64xf32>, vector<64x512xf32>, vector<256x512xf32> -> vector<256x512xf32>
    %max3A_400 = arith.maximumf %max3A_359, %dot_general3A_399 : vector<256x512xf32>
    %get3A_401 = arith.constant 0 : index
    %get3A_402 = arith.constant 10 : index
    %get3A_403 = arith.constant 0 : index
    %get3A_404 = vector.load %arg1[%get3A_401, %get3A_402, %get3A_403] : memref<256x16x128xi32, #tpu.memory_space<vmem>>, vector<256x1x64xi32>
    %get3A_405 = vector.shape_cast %get3A_404 : vector<256x1x64xi32> to vector<256x64xi32>
    %get3A_406 = arith.constant 0 : index
    %get3A_407 = arith.constant 10 : index
    %get3A_408 = arith.constant 64 : index
    %get3A_409 = vector.load %arg1[%get3A_406, %get3A_407, %get3A_408] : memref<256x16x128xi32, #tpu.memory_space<vmem>>, vector<256x1x64xi32>
    %get3A_410 = vector.shape_cast %get3A_409 : vector<256x1x64xi32> to vector<256x64xi32>
    %get3A_411 = arith.constant 0 : index
    %get3A_412 = arith.constant 10 : index
    %get3A_413 = vector.load %arg2[%get3A_411, %get3A_412] : memref<256x16xi32, #tpu.memory_space<vmem>>, vector<256x1xi32>
    %get3A_414 = vector.shape_cast %get3A_413 : vector<256x1xi32> to vector<256xi32>
    %reshape3A_415 = vector.shape_cast %get3A_414 : vector<256xi32> to vector<256x1xi32>
    %ge3A_416 = arith.constant 2 : i32
    %ge3A_417 = vector.broadcast %ge3A_416 : i32 to vector<256x1xi32>
    %ge3A_418 = arith.cmpi sge, %reshape3A_415, %ge3A_417 : vector<256x1xi32>
    %broadcast_in_dim3A_419 = vector.shape_cast %ge3A_418 : vector<256x1xi1> to vector<256x1xi1>
    %broadcast_in_dim3A_420 = vector.broadcast %broadcast_in_dim3A_419 : vector<256x1xi1> to vector<256x64xi1>
    %select_n3A_421 = arith.select %broadcast_in_dim3A_420, %get3A_410, %get3A_405 : vector<256x64xi1>, vector<256x64xi32>
    %bitcast_convert_type3A_422 = tpu.bitcast %select_n3A_421 : vector<256x64xi32> -> vector<256x64xi32>
    %and3A_423 = arith.constant 1 : i32
    %and3A_424 = vector.broadcast %and3A_423 : i32 to vector<256x1xi32>
    %and3A_425 = arith.andi %reshape3A_415, %and3A_424 : vector<256x1xi32>
    %eq3A_426 = arith.constant 1 : i32
    %eq3A_427 = vector.broadcast %eq3A_426 : i32 to vector<256x1xi32>
    %eq3A_428 = arith.cmpi eq, %and3A_425, %eq3A_427 : vector<256x1xi32>
    %and3A_429 = arith.constant -65536 : i32
    %and3A_430 = vector.broadcast %and3A_429 : i32 to vector<256x64xi32>
    %and3A_431 = arith.andi %bitcast_convert_type3A_422, %and3A_430 : vector<256x64xi32>
    %shift_left3A_432 = arith.constant 16 : i32
    %shift_left3A_433 = vector.broadcast %shift_left3A_432 : i32 to vector<256x64xi32>
    %shift_left3A_434 = arith.shli %bitcast_convert_type3A_422, %shift_left3A_433 : vector<256x64xi32>
    %broadcast_in_dim3A_435 = vector.shape_cast %eq3A_428 : vector<256x1xi1> to vector<256x1xi1>
    %broadcast_in_dim3A_436 = vector.broadcast %broadcast_in_dim3A_435 : vector<256x1xi1> to vector<256x64xi1>
    %select_n3A_437 = arith.select %broadcast_in_dim3A_436, %and3A_431, %shift_left3A_434 : vector<256x64xi1>, vector<256x64xi32>
    %bitcast_convert_type3A_438 = tpu.bitcast %select_n3A_437 : vector<256x64xi32> -> vector<256x64xf32>
    %dot_general3A_439 = arith.constant dense<0.000000e+00> : vector<256x512xf32>
    %dot_general3A_440 = tpu.matmul %bitcast_convert_type3A_438, %get3A_1, %dot_general3A_439 {dimension_numbers = #tpu.dot_dimension_numbers<[1], [0], [0], [1], [0, 0, 1, 1], [], []>, transpose_lhs_hint = false} : vector<256x64xf32>, vector<64x512xf32>, vector<256x512xf32> -> vector<256x512xf32>
    %max3A_441 = arith.maximumf %max3A_400, %dot_general3A_440 : vector<256x512xf32>
    %get3A_442 = arith.constant 0 : index
    %get3A_443 = arith.constant 11 : index
    %get3A_444 = arith.constant 0 : index
    %get3A_445 = vector.load %arg1[%get3A_442, %get3A_443, %get3A_444] : memref<256x16x128xi32, #tpu.memory_space<vmem>>, vector<256x1x64xi32>
    %get3A_446 = vector.shape_cast %get3A_445 : vector<256x1x64xi32> to vector<256x64xi32>
    %get3A_447 = arith.constant 0 : index
    %get3A_448 = arith.constant 11 : index
    %get3A_449 = arith.constant 64 : index
    %get3A_450 = vector.load %arg1[%get3A_447, %get3A_448, %get3A_449] : memref<256x16x128xi32, #tpu.memory_space<vmem>>, vector<256x1x64xi32>
    %get3A_451 = vector.shape_cast %get3A_450 : vector<256x1x64xi32> to vector<256x64xi32>
    %get3A_452 = arith.constant 0 : index
    %get3A_453 = arith.constant 11 : index
    %get3A_454 = vector.load %arg2[%get3A_452, %get3A_453] : memref<256x16xi32, #tpu.memory_space<vmem>>, vector<256x1xi32>
    %get3A_455 = vector.shape_cast %get3A_454 : vector<256x1xi32> to vector<256xi32>
    %reshape3A_456 = vector.shape_cast %get3A_455 : vector<256xi32> to vector<256x1xi32>
    %ge3A_457 = arith.constant 2 : i32
    %ge3A_458 = vector.broadcast %ge3A_457 : i32 to vector<256x1xi32>
    %ge3A_459 = arith.cmpi sge, %reshape3A_456, %ge3A_458 : vector<256x1xi32>
    %broadcast_in_dim3A_460 = vector.shape_cast %ge3A_459 : vector<256x1xi1> to vector<256x1xi1>
    %broadcast_in_dim3A_461 = vector.broadcast %broadcast_in_dim3A_460 : vector<256x1xi1> to vector<256x64xi1>
    %select_n3A_462 = arith.select %broadcast_in_dim3A_461, %get3A_451, %get3A_446 : vector<256x64xi1>, vector<256x64xi32>
    %bitcast_convert_type3A_463 = tpu.bitcast %select_n3A_462 : vector<256x64xi32> -> vector<256x64xi32>
    %and3A_464 = arith.constant 1 : i32
    %and3A_465 = vector.broadcast %and3A_464 : i32 to vector<256x1xi32>
    %and3A_466 = arith.andi %reshape3A_456, %and3A_465 : vector<256x1xi32>
    %eq3A_467 = arith.constant 1 : i32
    %eq3A_468 = vector.broadcast %eq3A_467 : i32 to vector<256x1xi32>
    %eq3A_469 = arith.cmpi eq, %and3A_466, %eq3A_468 : vector<256x1xi32>
    %and3A_470 = arith.constant -65536 : i32
    %and3A_471 = vector.broadcast %and3A_470 : i32 to vector<256x64xi32>
    %and3A_472 = arith.andi %bitcast_convert_type3A_463, %and3A_471 : vector<256x64xi32>
    %shift_left3A_473 = arith.constant 16 : i32
    %shift_left3A_474 = vector.broadcast %shift_left3A_473 : i32 to vector<256x64xi32>
    %shift_left3A_475 = arith.shli %bitcast_convert_type3A_463, %shift_left3A_474 : vector<256x64xi32>
    %broadcast_in_dim3A_476 = vector.shape_cast %eq3A_469 : vector<256x1xi1> to vector<256x1xi1>
    %broadcast_in_dim3A_477 = vector.broadcast %broadcast_in_dim3A_476 : vector<256x1xi1> to vector<256x64xi1>
    %select_n3A_478 = arith.select %broadcast_in_dim3A_477, %and3A_472, %shift_left3A_475 : vector<256x64xi1>, vector<256x64xi32>
    %bitcast_convert_type3A_479 = tpu.bitcast %select_n3A_478 : vector<256x64xi32> -> vector<256x64xf32>
    %dot_general3A_480 = arith.constant dense<0.000000e+00> : vector<256x512xf32>
    %dot_general3A_481 = tpu.matmul %bitcast_convert_type3A_479, %get3A_1, %dot_general3A_480 {dimension_numbers = #tpu.dot_dimension_numbers<[1], [0], [0], [1], [0, 0, 1, 1], [], []>, transpose_lhs_hint = false} : vector<256x64xf32>, vector<64x512xf32>, vector<256x512xf32> -> vector<256x512xf32>
    %max3A_482 = arith.maximumf %max3A_441, %dot_general3A_481 : vector<256x512xf32>
    %get3A_483 = arith.constant 0 : index
    %get3A_484 = arith.constant 12 : index
    %get3A_485 = arith.constant 0 : index
    %get3A_486 = vector.load %arg1[%get3A_483, %get3A_484, %get3A_485] : memref<256x16x128xi32, #tpu.memory_space<vmem>>, vector<256x1x64xi32>
    %get3A_487 = vector.shape_cast %get3A_486 : vector<256x1x64xi32> to vector<256x64xi32>
    %get3A_488 = arith.constant 0 : index
    %get3A_489 = arith.constant 12 : index
    %get3A_490 = arith.constant 64 : index
    %get3A_491 = vector.load %arg1[%get3A_488, %get3A_489, %get3A_490] : memref<256x16x128xi32, #tpu.memory_space<vmem>>, vector<256x1x64xi32>
    %get3A_492 = vector.shape_cast %get3A_491 : vector<256x1x64xi32> to vector<256x64xi32>
    %get3A_493 = arith.constant 0 : index
    %get3A_494 = arith.constant 12 : index
    %get3A_495 = vector.load %arg2[%get3A_493, %get3A_494] : memref<256x16xi32, #tpu.memory_space<vmem>>, vector<256x1xi32>
    %get3A_496 = vector.shape_cast %get3A_495 : vector<256x1xi32> to vector<256xi32>
    %reshape3A_497 = vector.shape_cast %get3A_496 : vector<256xi32> to vector<256x1xi32>
    %ge3A_498 = arith.constant 2 : i32
    %ge3A_499 = vector.broadcast %ge3A_498 : i32 to vector<256x1xi32>
    %ge3A_500 = arith.cmpi sge, %reshape3A_497, %ge3A_499 : vector<256x1xi32>
    %broadcast_in_dim3A_501 = vector.shape_cast %ge3A_500 : vector<256x1xi1> to vector<256x1xi1>
    %broadcast_in_dim3A_502 = vector.broadcast %broadcast_in_dim3A_501 : vector<256x1xi1> to vector<256x64xi1>
    %select_n3A_503 = arith.select %broadcast_in_dim3A_502, %get3A_492, %get3A_487 : vector<256x64xi1>, vector<256x64xi32>
    %bitcast_convert_type3A_504 = tpu.bitcast %select_n3A_503 : vector<256x64xi32> -> vector<256x64xi32>
    %and3A_505 = arith.constant 1 : i32
    %and3A_506 = vector.broadcast %and3A_505 : i32 to vector<256x1xi32>
    %and3A_507 = arith.andi %reshape3A_497, %and3A_506 : vector<256x1xi32>
    %eq3A_508 = arith.constant 1 : i32
    %eq3A_509 = vector.broadcast %eq3A_508 : i32 to vector<256x1xi32>
    %eq3A_510 = arith.cmpi eq, %and3A_507, %eq3A_509 : vector<256x1xi32>
    %and3A_511 = arith.constant -65536 : i32
    %and3A_512 = vector.broadcast %and3A_511 : i32 to vector<256x64xi32>
    %and3A_513 = arith.andi %bitcast_convert_type3A_504, %and3A_512 : vector<256x64xi32>
    %shift_left3A_514 = arith.constant 16 : i32
    %shift_left3A_515 = vector.broadcast %shift_left3A_514 : i32 to vector<256x64xi32>
    %shift_left3A_516 = arith.shli %bitcast_convert_type3A_504, %shift_left3A_515 : vector<256x64xi32>
    %broadcast_in_dim3A_517 = vector.shape_cast %eq3A_510 : vector<256x1xi1> to vector<256x1xi1>
    %broadcast_in_dim3A_518 = vector.broadcast %broadcast_in_dim3A_517 : vector<256x1xi1> to vector<256x64xi1>
    %select_n3A_519 = arith.select %broadcast_in_dim3A_518, %and3A_513, %shift_left3A_516 : vector<256x64xi1>, vector<256x64xi32>
    %bitcast_convert_type3A_520 = tpu.bitcast %select_n3A_519 : vector<256x64xi32> -> vector<256x64xf32>
    %dot_general3A_521 = arith.constant dense<0.000000e+00> : vector<256x512xf32>
    %dot_general3A_522 = tpu.matmul %bitcast_convert_type3A_520, %get3A_1, %dot_general3A_521 {dimension_numbers = #tpu.dot_dimension_numbers<[1], [0], [0], [1], [0, 0, 1, 1], [], []>, transpose_lhs_hint = false} : vector<256x64xf32>, vector<64x512xf32>, vector<256x512xf32> -> vector<256x512xf32>
    %max3A_523 = arith.maximumf %max3A_482, %dot_general3A_522 : vector<256x512xf32>
    %get3A_524 = arith.constant 0 : index
    %get3A_525 = arith.constant 13 : index
    %get3A_526 = arith.constant 0 : index
    %get3A_527 = vector.load %arg1[%get3A_524, %get3A_525, %get3A_526] : memref<256x16x128xi32, #tpu.memory_space<vmem>>, vector<256x1x64xi32>
    %get3A_528 = vector.shape_cast %get3A_527 : vector<256x1x64xi32> to vector<256x64xi32>
    %get3A_529 = arith.constant 0 : index
    %get3A_530 = arith.constant 13 : index
    %get3A_531 = arith.constant 64 : index
    %get3A_532 = vector.load %arg1[%get3A_529, %get3A_530, %get3A_531] : memref<256x16x128xi32, #tpu.memory_space<vmem>>, vector<256x1x64xi32>
    %get3A_533 = vector.shape_cast %get3A_532 : vector<256x1x64xi32> to vector<256x64xi32>
    %get3A_534 = arith.constant 0 : index
    %get3A_535 = arith.constant 13 : index
    %get3A_536 = vector.load %arg2[%get3A_534, %get3A_535] : memref<256x16xi32, #tpu.memory_space<vmem>>, vector<256x1xi32>
    %get3A_537 = vector.shape_cast %get3A_536 : vector<256x1xi32> to vector<256xi32>
    %reshape3A_538 = vector.shape_cast %get3A_537 : vector<256xi32> to vector<256x1xi32>
    %ge3A_539 = arith.constant 2 : i32
    %ge3A_540 = vector.broadcast %ge3A_539 : i32 to vector<256x1xi32>
    %ge3A_541 = arith.cmpi sge, %reshape3A_538, %ge3A_540 : vector<256x1xi32>
    %broadcast_in_dim3A_542 = vector.shape_cast %ge3A_541 : vector<256x1xi1> to vector<256x1xi1>
    %broadcast_in_dim3A_543 = vector.broadcast %broadcast_in_dim3A_542 : vector<256x1xi1> to vector<256x64xi1>
    %select_n3A_544 = arith.select %broadcast_in_dim3A_543, %get3A_533, %get3A_528 : vector<256x64xi1>, vector<256x64xi32>
    %bitcast_convert_type3A_545 = tpu.bitcast %select_n3A_544 : vector<256x64xi32> -> vector<256x64xi32>
    %and3A_546 = arith.constant 1 : i32
    %and3A_547 = vector.broadcast %and3A_546 : i32 to vector<256x1xi32>
    %and3A_548 = arith.andi %reshape3A_538, %and3A_547 : vector<256x1xi32>
    %eq3A_549 = arith.constant 1 : i32
    %eq3A_550 = vector.broadcast %eq3A_549 : i32 to vector<256x1xi32>
    %eq3A_551 = arith.cmpi eq, %and3A_548, %eq3A_550 : vector<256x1xi32>
    %and3A_552 = arith.constant -65536 : i32
    %and3A_553 = vector.broadcast %and3A_552 : i32 to vector<256x64xi32>
    %and3A_554 = arith.andi %bitcast_convert_type3A_545, %and3A_553 : vector<256x64xi32>
    %shift_left3A_555 = arith.constant 16 : i32
    %shift_left3A_556 = vector.broadcast %shift_left3A_555 : i32 to vector<256x64xi32>
    %shift_left3A_557 = arith.shli %bitcast_convert_type3A_545, %shift_left3A_556 : vector<256x64xi32>
    %broadcast_in_dim3A_558 = vector.shape_cast %eq3A_551 : vector<256x1xi1> to vector<256x1xi1>
    %broadcast_in_dim3A_559 = vector.broadcast %broadcast_in_dim3A_558 : vector<256x1xi1> to vector<256x64xi1>
    %select_n3A_560 = arith.select %broadcast_in_dim3A_559, %and3A_554, %shift_left3A_557 : vector<256x64xi1>, vector<256x64xi32>
    %bitcast_convert_type3A_561 = tpu.bitcast %select_n3A_560 : vector<256x64xi32> -> vector<256x64xf32>
    %dot_general3A_562 = arith.constant dense<0.000000e+00> : vector<256x512xf32>
    %dot_general3A_563 = tpu.matmul %bitcast_convert_type3A_561, %get3A_1, %dot_general3A_562 {dimension_numbers = #tpu.dot_dimension_numbers<[1], [0], [0], [1], [0, 0, 1, 1], [], []>, transpose_lhs_hint = false} : vector<256x64xf32>, vector<64x512xf32>, vector<256x512xf32> -> vector<256x512xf32>
    %max3A_564 = arith.maximumf %max3A_523, %dot_general3A_563 : vector<256x512xf32>
    %get3A_565 = arith.constant 0 : index
    %get3A_566 = arith.constant 14 : index
    %get3A_567 = arith.constant 0 : index
    %get3A_568 = vector.load %arg1[%get3A_565, %get3A_566, %get3A_567] : memref<256x16x128xi32, #tpu.memory_space<vmem>>, vector<256x1x64xi32>
    %get3A_569 = vector.shape_cast %get3A_568 : vector<256x1x64xi32> to vector<256x64xi32>
    %get3A_570 = arith.constant 0 : index
    %get3A_571 = arith.constant 14 : index
    %get3A_572 = arith.constant 64 : index
    %get3A_573 = vector.load %arg1[%get3A_570, %get3A_571, %get3A_572] : memref<256x16x128xi32, #tpu.memory_space<vmem>>, vector<256x1x64xi32>
    %get3A_574 = vector.shape_cast %get3A_573 : vector<256x1x64xi32> to vector<256x64xi32>
    %get3A_575 = arith.constant 0 : index
    %get3A_576 = arith.constant 14 : index
    %get3A_577 = vector.load %arg2[%get3A_575, %get3A_576] : memref<256x16xi32, #tpu.memory_space<vmem>>, vector<256x1xi32>
    %get3A_578 = vector.shape_cast %get3A_577 : vector<256x1xi32> to vector<256xi32>
    %reshape3A_579 = vector.shape_cast %get3A_578 : vector<256xi32> to vector<256x1xi32>
    %ge3A_580 = arith.constant 2 : i32
    %ge3A_581 = vector.broadcast %ge3A_580 : i32 to vector<256x1xi32>
    %ge3A_582 = arith.cmpi sge, %reshape3A_579, %ge3A_581 : vector<256x1xi32>
    %broadcast_in_dim3A_583 = vector.shape_cast %ge3A_582 : vector<256x1xi1> to vector<256x1xi1>
    %broadcast_in_dim3A_584 = vector.broadcast %broadcast_in_dim3A_583 : vector<256x1xi1> to vector<256x64xi1>
    %select_n3A_585 = arith.select %broadcast_in_dim3A_584, %get3A_574, %get3A_569 : vector<256x64xi1>, vector<256x64xi32>
    %bitcast_convert_type3A_586 = tpu.bitcast %select_n3A_585 : vector<256x64xi32> -> vector<256x64xi32>
    %and3A_587 = arith.constant 1 : i32
    %and3A_588 = vector.broadcast %and3A_587 : i32 to vector<256x1xi32>
    %and3A_589 = arith.andi %reshape3A_579, %and3A_588 : vector<256x1xi32>
    %eq3A_590 = arith.constant 1 : i32
    %eq3A_591 = vector.broadcast %eq3A_590 : i32 to vector<256x1xi32>
    %eq3A_592 = arith.cmpi eq, %and3A_589, %eq3A_591 : vector<256x1xi32>
    %and3A_593 = arith.constant -65536 : i32
    %and3A_594 = vector.broadcast %and3A_593 : i32 to vector<256x64xi32>
    %and3A_595 = arith.andi %bitcast_convert_type3A_586, %and3A_594 : vector<256x64xi32>
    %shift_left3A_596 = arith.constant 16 : i32
    %shift_left3A_597 = vector.broadcast %shift_left3A_596 : i32 to vector<256x64xi32>
    %shift_left3A_598 = arith.shli %bitcast_convert_type3A_586, %shift_left3A_597 : vector<256x64xi32>
    %broadcast_in_dim3A_599 = vector.shape_cast %eq3A_592 : vector<256x1xi1> to vector<256x1xi1>
    %broadcast_in_dim3A_600 = vector.broadcast %broadcast_in_dim3A_599 : vector<256x1xi1> to vector<256x64xi1>
    %select_n3A_601 = arith.select %broadcast_in_dim3A_600, %and3A_595, %shift_left3A_598 : vector<256x64xi1>, vector<256x64xi32>
    %bitcast_convert_type3A_602 = tpu.bitcast %select_n3A_601 : vector<256x64xi32> -> vector<256x64xf32>
    %dot_general3A_603 = arith.constant dense<0.000000e+00> : vector<256x512xf32>
    %dot_general3A_604 = tpu.matmul %bitcast_convert_type3A_602, %get3A_1, %dot_general3A_603 {dimension_numbers = #tpu.dot_dimension_numbers<[1], [0], [0], [1], [0, 0, 1, 1], [], []>, transpose_lhs_hint = false} : vector<256x64xf32>, vector<64x512xf32>, vector<256x512xf32> -> vector<256x512xf32>
    %max3A_605 = arith.maximumf %max3A_564, %dot_general3A_604 : vector<256x512xf32>
    %get3A_606 = arith.constant 0 : index
    %get3A_607 = arith.constant 15 : index
    %get3A_608 = arith.constant 0 : index
    %get3A_609 = vector.load %arg1[%get3A_606, %get3A_607, %get3A_608] : memref<256x16x128xi32, #tpu.memory_space<vmem>>, vector<256x1x64xi32>
    %get3A_610 = vector.shape_cast %get3A_609 : vector<256x1x64xi32> to vector<256x64xi32>
    %get3A_611 = arith.constant 0 : index
    %get3A_612 = arith.constant 15 : index
    %get3A_613 = arith.constant 64 : index
    %get3A_614 = vector.load %arg1[%get3A_611, %get3A_612, %get3A_613] : memref<256x16x128xi32, #tpu.memory_space<vmem>>, vector<256x1x64xi32>
    %get3A_615 = vector.shape_cast %get3A_614 : vector<256x1x64xi32> to vector<256x64xi32>
    %get3A_616 = arith.constant 0 : index
    %get3A_617 = arith.constant 15 : index
    %get3A_618 = vector.load %arg2[%get3A_616, %get3A_617] : memref<256x16xi32, #tpu.memory_space<vmem>>, vector<256x1xi32>
    %get3A_619 = vector.shape_cast %get3A_618 : vector<256x1xi32> to vector<256xi32>
    %reshape3A_620 = vector.shape_cast %get3A_619 : vector<256xi32> to vector<256x1xi32>
    %ge3A_621 = arith.constant 2 : i32
    %ge3A_622 = vector.broadcast %ge3A_621 : i32 to vector<256x1xi32>
    %ge3A_623 = arith.cmpi sge, %reshape3A_620, %ge3A_622 : vector<256x1xi32>
    %broadcast_in_dim3A_624 = vector.shape_cast %ge3A_623 : vector<256x1xi1> to vector<256x1xi1>
    %broadcast_in_dim3A_625 = vector.broadcast %broadcast_in_dim3A_624 : vector<256x1xi1> to vector<256x64xi1>
    %select_n3A_626 = arith.select %broadcast_in_dim3A_625, %get3A_615, %get3A_610 : vector<256x64xi1>, vector<256x64xi32>
    %bitcast_convert_type3A_627 = tpu.bitcast %select_n3A_626 : vector<256x64xi32> -> vector<256x64xi32>
    %and3A_628 = arith.constant 1 : i32
    %and3A_629 = vector.broadcast %and3A_628 : i32 to vector<256x1xi32>
    %and3A_630 = arith.andi %reshape3A_620, %and3A_629 : vector<256x1xi32>
    %eq3A_631 = arith.constant 1 : i32
    %eq3A_632 = vector.broadcast %eq3A_631 : i32 to vector<256x1xi32>
    %eq3A_633 = arith.cmpi eq, %and3A_630, %eq3A_632 : vector<256x1xi32>
    %and3A_634 = arith.constant -65536 : i32
    %and3A_635 = vector.broadcast %and3A_634 : i32 to vector<256x64xi32>
    %and3A_636 = arith.andi %bitcast_convert_type3A_627, %and3A_635 : vector<256x64xi32>
    %shift_left3A_637 = arith.constant 16 : i32
    %shift_left3A_638 = vector.broadcast %shift_left3A_637 : i32 to vector<256x64xi32>
    %shift_left3A_639 = arith.shli %bitcast_convert_type3A_627, %shift_left3A_638 : vector<256x64xi32>
    %broadcast_in_dim3A_640 = vector.shape_cast %eq3A_633 : vector<256x1xi1> to vector<256x1xi1>
    %broadcast_in_dim3A_641 = vector.broadcast %broadcast_in_dim3A_640 : vector<256x1xi1> to vector<256x64xi1>
    %select_n3A_642 = arith.select %broadcast_in_dim3A_641, %and3A_636, %shift_left3A_639 : vector<256x64xi1>, vector<256x64xi32>
    %bitcast_convert_type3A_643 = tpu.bitcast %select_n3A_642 : vector<256x64xi32> -> vector<256x64xf32>
    %dot_general3A_644 = arith.constant dense<0.000000e+00> : vector<256x512xf32>
    %dot_general3A_645 = tpu.matmul %bitcast_convert_type3A_643, %get3A_1, %dot_general3A_644 {dimension_numbers = #tpu.dot_dimension_numbers<[1], [0], [0], [1], [0, 0, 1, 1], [], []>, transpose_lhs_hint = false} : vector<256x64xf32>, vector<64x512xf32>, vector<256x512xf32> -> vector<256x512xf32>
    %max3A_646 = arith.maximumf %max3A_605, %dot_general3A_645 : vector<256x512xf32>
    %get3A_647 = arith.constant 0 : index
    %get3A_648 = arith.constant 0 : index
    %get3A_649 = vector.load %arg4[%get3A_647, %get3A_648] : memref<1x512xf32, #tpu.memory_space<vmem>>, vector<1x512xf32>
    %add3A = vector.broadcast %get3A_649 : vector<1x512xf32> to vector<256x512xf32>
    %add3A_650 = arith.addf %max3A_646, %add3A : vector<256x512xf32>
    %max3A_651 = arith.constant 0.000000e+00 : f32
    %max3A_652 = vector.broadcast %max3A_651 : f32 to vector<256x512xf32>
    %max3A_653 = arith.maximumf %add3A_650, %max3A_652 : vector<256x512xf32>
    %get3A_654 = arith.constant 0 : index
    %get3A_655 = arith.constant 0 : index
    %get3A_656 = vector.load %arg5[%get3A_654, %get3A_655] : memref<512x128xf32, #tpu.memory_space<vmem>>, vector<512x128xf32>
    %dot_general3A_657 = arith.constant dense<0.000000e+00> : vector<256x128xf32>
    %dot_general3A_658 = tpu.matmul %max3A_653, %get3A_656, %dot_general3A_657 {dimension_numbers = #tpu.dot_dimension_numbers<[1], [0], [0], [1], [0, 0, 1, 1], [], []>, transpose_lhs_hint = false} : vector<256x512xf32>, vector<512x128xf32>, vector<256x128xf32> -> vector<256x128xf32>
    %get3A_659 = arith.constant 0 : index
    %get3A_660 = arith.constant 0 : index
    %get3A_661 = vector.load %arg6[%get3A_659, %get3A_660] : memref<1x128xf32, #tpu.memory_space<vmem>>, vector<1x128xf32>
    %add3A_662 = vector.broadcast %get3A_661 : vector<1x128xf32> to vector<256x128xf32>
    %add3A_663 = arith.addf %dot_general3A_658, %add3A_662 : vector<256x128xf32>
    %swap3A = arith.constant 0 : index
    %swap3A_664 = arith.constant 0 : index
    %swap3A_665 = vector.load %arg7[%swap3A, %swap3A_664] : memref<256x128xf32, #tpu.memory_space<vmem>>, vector<256x128xf32>
    tpu.vector_store %arg7[%swap3A, %swap3A_664], %add3A_663 {strides = array<i32>} : memref<256x128xf32, #tpu.memory_space<vmem>>, vector<256x128xf32>,
    return
  }
  func.func @transform_0(%arg0: i32) -> (i32, i32, i32) {
    %c0_i32 = arith.constant 0 : i32
    %c0_i32_0 = arith.constant 0 : i32
    %c0_i32_1 = arith.constant 0 : i32
    return %arg0, %c0_i32, %c0_i32_0 : i32, i32, i32
  }
  func.func @transform_1(%arg0: i32) -> (i32, i32) {
    %c0_i32 = arith.constant 0 : i32
    %c0_i32_0 = arith.constant 0 : i32
    return %arg0, %c0_i32 : i32, i32
  }
  func.func @transform_2(%arg0: i32) -> (i32, i32) {
    %c0_i32 = arith.constant 0 : i32
    %c0_i32_0 = arith.constant 0 : i32
    %c0_i32_1 = arith.constant 0 : i32
    return %c0_i32, %c0_i32_0 : i32, i32
  }
  func.func @transform_3(%arg0: i32) -> (i32, i32) {
    %c0_i32 = arith.constant 0 : i32
    %c0_i32_0 = arith.constant 0 : i32
    %c0_i32_1 = arith.constant 0 : i32
    return %c0_i32, %c0_i32_0 : i32, i32
  }
  func.func @transform_4(%arg0: i32) -> (i32, i32) {
    %c0_i32 = arith.constant 0 : i32
    %c0_i32_0 = arith.constant 0 : i32
    %c0_i32_1 = arith.constant 0 : i32
    return %c0_i32, %c0_i32_0 : i32, i32
  }
  func.func @transform_5(%arg0: i32) -> (i32, i32) {
    %c0_i32 = arith.constant 0 : i32
    %c0_i32_0 = arith.constant 0 : i32
    %c0_i32_1 = arith.constant 0 : i32
    return %c0_i32, %c0_i32_0 : i32, i32
  }
  func.func @transform_6(%arg0: i32) -> (i32, i32) {
    %c0_i32 = arith.constant 0 : i32
    %c0_i32_0 = arith.constant 0 : i32
    return %arg0, %c0_i32 : i32, i32
  }
}

</mosaic_0001>

<sc_bundles>
// kernel: kernel.11.cloned.1.call-start
scs
__scs_entry_jumppad:
0x0: {  	(pc) =	sbr.rel $0x88, $3  }
0x1: {  	(tag) =	ssettag $0x0;
	lr =	simm.s32 $0x1  }
0x2: {  	[smem:$0x3F9B] =	sst lr;
	_ =	strace $0xD0000000  }
0x3: {  	_ = 	snop  }
0x4: {  	_ = 	snop  }
0x5: {  	_ = 	snop  }
0x6: {  	_ = 	snop  }
0x7: {  	_ = 	snop  }
__scs_overlays_trampoline_lowered:
0x8: {  	[smem:$0x3FAA] =	sst s0  }
0x9: {  	[smem:$0x3FAB] =	sst s1  }
0xa: {  	[smem:$0x3FAC] =	sst s2  }
0xb: {  	[smem:$0x3FAD] =	sst s3  }
0xc: {  	[smem:$0x3FAE] =	sst s4  }
0xd: {  	[smem:$0x3FAF] =	sst s5  }
0xe: {  	[smem:$0x3FB0] =	sst s6  }
0xf: {  	[smem:$0x3FB1] =	sst s7  }
0x10: {  	[smem:$0x3FB2] =	sst s8  }
0x11: {  	[smem:$0x3FB3] =	sst s9;
	s0 =	simm.s32 @!p0 $0x0  }
0x12: {  	s1 =	sld [smem:$0x3F99];
	s0 =	simm.s32 @p0 $0x1  }
0x13: {  	[smem:$0x3FB4] =	sst s0;
	s0 =	simm.s32 @!p1 $0x0  }
0x14: {  	s2 =	sld [smem:$0x3F98];
	s0 =	simm.s32 @p1 $0x1  }
0x15: {  	[smem:$0x3FB5] =	sst s0;
	s0 =	simm.s32 @!p2 $0x0  }
0x16: {  	s3 =	sld [smem:$0x3FDB];
	s0 =	simm.s32 @p2 $0x1  }
0x17: {  	s4 =	simm.s32 $0x1BF5;
	[smem:$0x3FB7] =	sst s0  }
0x18: {  	s0 =	sld [smem:$0x3F9A];
	_ =	swait.ge [sflag:s4], $0x0  }
0x19: {  	s7 =	sld [smem:$0x3F9B]  }
0x1a: {  	s8 =	sadd.s32 $0xFFFFE003, lr  }
0x1b: {  	s9 =	sadd.s32 $0xFFFFFEF7, lr;
	s5 =	simm.s32 $0xFFFFFFFF;
	p2 =	slt.u32 s8, $0xFFFFF086  }
0x1c: {  	p1 =	slt.u32 s9, $0xF7A;
	s5 =	simm.s32 @!p2 $0x0  }
0x1d: {  	s5 =	simm.s32 @p1 $0x1;
	p0 =	seq.s32 s7, s2  }
0x1e: {  	s7 =	smul.u32 @!p0 $0xF7A, s2;
	p2 =	seq.s32 @!p0 s5, $0x0  }
0x1f: {  	s9 =	smul.u32 $0xF7A, s1;
	s8 =	simm.s32 @!p0 $0x1BF5;
	p2 =	por !p2, p0  }
0x20: {  	[sflag:s8] =	ssyncset.s32 @!p0 $0xFFFFF086;
	s6 =	sadd.s32 @!p0 s3, s7;
	s7 =	simm.s32 @!p0 $0x108  }
0x21: {  	s3 =	sadd.s32 s3, s9;
	s6 =	sadd.s32 @!p0 $0x88, s6;
	s7 =	simm.s32 @p2 $0x1082  }
0x22: {  	[simem:s7], [sflag:s8] =	dma.local @!p0 [hbm:s6], $0xF7A  }
0x23: {  	s9 =	sor.u32 $0xD0000000, s2;
	s6 =	simm.s32 $0x108;
	_ =	swait.ge @!p0 [sflag:s8], $0x0  }
0x24: {  	s3 =	sadd.s32 $0x88, s3;
	s6 =	simm.s32 @!p1 $0x1082;
	[sflag:s4] =	ssyncset.s32 $0xFFFFF086  }
0x25: {  	[simem:s6], [sflag:s4] =	dma.local [hbm:s3], $0xF7A  }
0x26: {  	[smem:$0x3F9B] =	sst s1;
	(tag) =	ssettag s2;
	_ =	strace s9  }
0x27: {  	s1 =	sld [smem:$0x3FAB]  }
0x28: {  	s2 =	sld [smem:$0x3FAC]  }
0x29: {  	s4 =	sld [smem:$0x3FAE]  }
0x2a: {  	p0 =	seq.s32 s5, $0x0;
	s5 =	sld [smem:$0x3FAF]  }
0x2b: {  	s6 =	sld [smem:$0x3FB0]  }
0x2c: {  	s7 =	sld [smem:$0x3FB1]  }
0x2d: {  	s3 =	simm.s32 $0x108;
	s8 =	sld [smem:$0x3FB2]  }
0x2e: {  	s3 =	simm.s32 @!p0 $0x1082;
	s9 =	sld [smem:$0x3FB3]  }
0x2f: {  	lr =	sadd.s32 s0, s3;
	s0 =	sld [smem:$0x3FAA]  }
0x30: {  	s3 =	sld [smem:$0x3FAD]  }
0x31: {  	[smem:$0x3FB6] =	sst s10  }
0x32: {  	s10 =	sld [smem:$0x3FB4];
	_ =	sdelay $0x3  }
0x33: {  	p0 =	seq.s32 s10, $0x1;
	s10 =	sld [smem:$0x3FB6];
	_ =	sdelay $0x3  }
0x34: {  	[smem:$0x3FB6] =	sst s10  }
0x35: {  	s10 =	sld [smem:$0x3FB5];
	_ =	sdelay $0x3  }
0x36: {  	p1 =	seq.s32 s10, $0x1;
	s10 =	sld [smem:$0x3FB6];
	_ =	sdelay $0x3  }
0x37: {  	[smem:$0x3FB6] =	sst s10  }
0x38: {  	s10 =	sld [smem:$0x3FB7]  }
0x39: {  	_ = 	snop;
	(pc) =	sbr.ind lr, $3  }
0x3a: {  	_ = 	snop  }
0x3b: {  	_ = 	snop  }
0x3c: {  	p2 =	seq.s32 s10, $0x1;
	s10 =	sld [smem:$0x3FB6]  }
0x3d: {  	_ =	shalt  }
0x3e: {  	_ =	shalt  }
0x3f: {  	_ =	shalt  }
0x40: {  	_ =	shalt  }
0x41: {  	_ =	shalt  }
0x42: {  	_ =	shalt  }
0x43: {  	_ =	shalt  }
0x44: {  	_ =	shalt  }
0x45: {  	_ =	shalt  }
0x46: {  	_ =	shalt  }
0x47: {  	_ =	shalt  }
0x48: {  	_ =	shalt  }
0x49: {  	_ =	shalt  }
0x4a: {  	_ =	shalt  }
0x4b: {  	_ =	shalt  }
0x4c: {  	_ =	shalt  }
0x4d: {  	_ =	shalt  }
0x4e: {  	_ =	shalt  }
0x4f: {  	_ =	shalt  }
0x50: {  	_ =	shalt  }
0x51: {  	_ =	shalt  }
0x52: {  	_ =	shalt  }
0x53: {  	_ =	shalt  }
0x54: {  	_ =	shalt  }
0x55: {  	_ =	shalt  }
0x56: {  	_ =	shalt  }
0x57: {  	_ =	shalt  }
0x58: {  	_ =	shalt  }
0x59: {  	_ =	shalt  }
0x5a: {  	_ =	shalt  }
0x5b: {  	_ =	shalt  }
0x5c: {  	_ =	shalt  }
0x5d: {  	_ =	shalt  }
0x5e: {  	_ =	shalt  }
0x5f: {  	_ =	shalt  }
0x60: {  	_ =	shalt  }
0x61: {  	_ =	shalt  }
0x62: {  	_ =	shalt  }
0x63: {  	_ =	shalt  }
0x64: {  	_ =	shalt  }
0x65: {  	_ =	shalt  }
0x66: {  	_ =	shalt  }
0x67: {  	_ =	shalt  }
0x68: {  	_ =	shalt  }
0x69: {  	_ =	shalt  }
0x6a: {  	_ =	shalt  }
0x6b: {  	_ =	shalt  }
0x6c: {  	_ =	shalt  }
0x6d: {  	_ =	shalt  }
0x6e: {  	_ =	shalt  }
0x6f: {  	_ =	shalt  }
0x70: {  	_ =	shalt  }
0x71: {  	_ =	shalt  }
0x72: {  	_ =	shalt  }
0x73: {  	_ =	shalt  }
0x74: {  	_ =	shalt  }
0x75: {  	_ =	shalt  }
0x76: {  	_ =	shalt  }
0x77: {  	_ =	shalt  }
0x78: {  	_ =	shalt  }
0x79: {  	_ =	shalt  }
0x7a: {  	_ =	shalt  }
0x7b: {  	_ =	shalt  }
0x7c: {  	_ =	shalt  }
0x7d: {  	_ =	shalt  }
0x7e: {  	_ =	shalt  }
0x7f: {  	_ =	shalt  }
0x80: {  	_ =	shalt  }
0x81: {  	_ =	shalt  }
0x82: {  	_ =	shalt  }
0x83: {  	_ =	shalt  }
0x84: {  	_ =	shalt  }
0x85: {  	_ =	shalt  }
0x86: {  	_ =	shalt  }
0x87: {  	_ =	shalt  }
.Lfunc_end0:
.L_simem_size_0:
called_computation_lowered:
.L_overlay_start_0:
0x88: {  	s2 =	sld [smem:$0x3FD9]  }
0x89: {  	s3 =	sld [smem:$0x3FFE];
	_ =	sdelay $0x1  }
0x8a: {  	s1 =	srdreg.scid  }
0x8b: {  	s0 =	sand.u32 $0x1, s1  }
0x8c: {  	s17 =	sshll.u32 s0, $0xA;
	s2 =	sadd.s32 s3, s2  }
0x8d: {  	s2 =	sadd.s32 s2, s17  }
0x8e: {  	[smem:$0x3FC2] =	sst s2  }
0x8f: {  	_ = 	snop  }
0x90: {  	(tm) =	ssettm $0x1  }
0x91: {  	s18 =	sld [smem:$0x3FFB];
	_ =	sdelay $0x3  }
0x92: {  	_ =	strace s18  }
0x93: {  	s2 =	sld [smem:$0x3FFC];
	_ =	sdelay $0x3  }
0x94: {  	_ =	strace s2  }
0x95: {  	s2 =	sld [smem:$0x3FFD];
	_ =	sdelay $0x3  }
0x96: {  	_ =	strace s2  }
0x97: {  	_ =	strace $0x8FFFFFFF  }
0x98: {  	s19 =	sld [smem:$0x3FDB];
	_ =	sdelay $0x1  }
0x99: {  	s20 =	simm.s32 $_scs_section_size  }
0x9a: {  	s4 =	simm.s32 $_size__tile_overlayer_lowered;
	s5 =	simm.s32 $_tile_overlayer_lowered  }
0x9b: {  	s6 =	simm.s32 $0x1BFF;
	s21 =	sshll.u32 s5, $0x1;
	s3 =	sadd.s32 s20, s19  }
0x9c: {  	s22 =	simm.s32 $0x0;
	s4 =	sshll.u32 s4, $0x1;
	s5 =	sadd.s32 s21, s3  }
0x9d: {  	[timem:s22], [sflag:s6] =	dma.local [hbm:s5], s4  }
0x9e: {  	_ =	swait.ge [sflag:s6], s4  }
0x9f: {  	s4 =	ssub.s32 $0x0, s4;
	[sflag:s6] =	ssyncset.done $0x0  }
0xa0: {  	[sflag:s6] =	ssyncadd.s32 s4;
	_ =	sdelay $0x1  }
0xa1: {  	s23 =	simm.s32 $0x1B8B  }
0xa2: {  	_ =	swait.ge [sflag:s23], $0x1  }
0xa3: {  	[sflag:s23] =	ssyncset.done $0x0  }
0xa4: {  	[sflag:s23] =	ssyncadd.s32 $0xFFFFFFFF  }
0xa5: {  	s4 =	sld [smem:$0x0]  }
0xa6: {  	s5 =	sand.u32 $0xFFFFFFFE, s1  }
0xa7: {  	p0 =	sne.s32 s1, s5  }
0xa8: {  	s5 =	sshll.u32 @p0 s5, $0xE  }
0xa9: {  	s5 =	sadd.s32 @p0 $0x11B8D, s5;
	s6 =	sshll.u32 @p0 s4, $0x11  }
0xaa: {  	s5 =	sor.u32 @p0 s6, s5  }
0xab: {  	[sflag:s5] =	ssyncadd.remote.s32 @p0 $0x1;
	_ =	sdelay $0x1  }
0xac: {  	s5 =	simm.s32 @p0 $0x1B8D  }
0xad: {  	_ =	swait.eq @p0 [sflag:s5], $0x1  }
0xae: {  	[sflag:s5] =	ssyncadd.s32 @p0 $0xFFFFFFFF  }
0xaf: {  	s6 =	sshll.u32 @!p0 s1, $0xE  }
0xb0: {  	s6 =	sor.u32 @!p0 $0x4000, s6;
	s5 =	simm.s32 @!p0 $0x1B8D  }
0xb1: {  	s4 =	sshll.u32 @!p0 s4, $0x11;
	s6 =	sadd.s32 @!p0 $0x11B8D, s6;
	_ =	swait.eq @!p0 [sflag:s5], $0x1  }
0xb2: {  	s4 =	sor.u32 @!p0 s4, s6;
	[sflag:s5] =	ssyncadd.s32 @!p0 $0xFFFFFFFF  }
0xb3: {  	s25 =	simm.s32 $0x1B8E;
	s24 =	sld [smem:$0x3FFE];
	[sflag:s4] =	ssyncadd.remote.s32 @!p0 $0x1  }
0xb4: {  	s26 =	simm.s32 $execute0_lowered;
	[smem:$0x3FD2] =	sst s25  }
0xb5: {  	s5 =	sshll.u32 s26, $0x1;
	_ =	strace $0x8000004F;
	[dreg:$0x1] =	wrdreg $0xFFFFFFFF  }
0xb6: {  	s28 =	simm.s32 $_size_execute0_lowered;
	s3 =	sadd.s32 s3, s5;
	[dreg:$0x0] =	wrdreg $0x0  }
0xb7: {  	s5 =	sshll.u32 s28, $0x1;
	[dreg:$0x2] =	wrdreg s3  }
0xb8: {  	[dreg:$0x3] =	wrdreg s5  }
0xb9: {  	[dreg:$0x4] =	wrdreg $0xC0  }
0xba: {  	_ =	task [dreg:s22], $0x5FFFF  }
0xbb: {  	[dreg:$0x1] =	wrdreg $0xFFFFFFFF  }
0xbc: {  	[dreg:$0x0] =	wrdreg $0x60  }
0xbd: {  	[dreg:$0x2] =	wrdreg s24  }
0xbe: {  	[dreg:$0x3] =	wrdreg $0x9  }
0xbf: {  	_ =	task.clear_ibuf [dreg:s22], $0x4FFFF;
	_ =	strace $0x9000004F  }
0xc0: {  	s29 =	simm.s32 $0x9;
	_ =	strace $0x80000051  }
0xc1: {  	_ =	swait.ge [sflag:s29], $0x1  }
0xc2: {  	[sflag:s29] =	ssyncadd.s32 $0xFFFFFFFF  }
0xc3: {  	_ =	strace $0x90000051  }
0xc4: {  	_ =	sfence  }
0xc5: {  	s30 =	sld [smem:$0x0];
	_ =	sdelay $0x2  }
0xc6: {  	s31 =	sshll.u32 s1, $0xD;
	s1 =	sshrl.u32 s1, $0x2  }
0xc7: {  	s4 =	sand.u32 $0x4000, s31;
	s1 =	sadd.s32 s1, s30  }
0xc8: {  	s0 =	sor.u32 s4, s0;
	s1 =	sshll.u32 s1, $0x11  }
0xc9: {  	s0 =	sor.u32 s1, s0  }
0xca: {  	s0 =	sadd.s32 $0x8F2B, s0  }
0xcb: {  	[sflag:s0] =	ssyncadd.remote.s32 $0x1  }
0xcc: {  	_ =	sfence.sel $0xFFFF  }
0xcd: {  	[dreg:$0x0] =	wrdreg $0xFFFFFFFF;
	(pc) =	sbr.abs _section_cstart, $3  }
0xce: {  	[dreg:$0x1] =	wrdreg $0xFFFFFFFF  }
0xcf: {  	_ =	task.clear_ibuf [dreg:s22], $0x2FFFF;
	_ =	strace $0x9FFFFFFF  }
0xd0: {  	(tm) =	ssettm $0x7FFFFFFF  }
0xd1: {  	_ =	shalt  }
tec
execute0_lowered:
.L_overlay_start_1:
0x0: {  	(tag) =	ssettag $0x1  }
0x1: {  	s1 =	srdreg.scid  }
0x2: {  	s0 =	stileid.u32;
	s12 =	sand.u32 $0x1, s1  }
0x3: {  	s31 =	sshll.u32 s0, $0xA;
	s2 =	sshll.u32 s12, $0x9  }
0x4: {  	s11 =	sor.u32 s2, s31  }
0x5: {  	s10 =	rddreg [dreg:$0x0];
	s2 =	simm.s32 $0x0;
	s3 =	sshrl.u32 s11, $0x3  }
0x6: {  	s4 =	simm.s32 $0x5;
	[smem:$0x7FF] =	sst s2;
	s3 =	sadd.s32 s3, s10  }
0x7: {  	s1 =	rddreg [dreg:$0x1];
	_ =	strace $0x80000050;
	s3 =	sadd.s32 $0x4000, s3  }
0x8: {  	[tilespmem:s2], [sflag:$0x5] =	stream.linear.gather [hbm4b:s3+s2], $0x200, $0x38;
	[tilespmem:$0x10200] =	vst v63  }
0x9: {  	_ =	swait.ge [sflag:s4], $0x200  }
0xa: {  	s6 =	simm.s32 $0x100;
	[sflag:s4] =	ssyncset.done $0x0  }
0xb: {  	s7 =	simm.s32 $0x200;
	s5 =	sadd.s32 $0x4800, s10;
	[sflag:s4] =	ssyncadd.s32 $0xFFFFFE00  }
0xc: {  	[tilespmem:s7], [sflag:$0x1] =	stream.indirect.gather [hbm4b:s5+s6], $0x80, s2, s6, $0xb8;
	[tilespmem:$0x10200] =	vst v63  }
0xd: {  	s8 =	simm.s32 $0x8200;
	s9 =	simm.s32 $0x1  }
0xe: {  	[tilespmem:s8], [sflag:$0x2] =	stream.indirect.gather [hbm4b:s5+s6], $0x80, s6, s6, $0xb8;
	[tilespmem:$0x10200] =	vst v63  }
0xf: {  	s14 =	ssub.s32 $0x2, s12;
	s11 =	sshll.u32 s11, $0x4;
	_ =	swait.ge [sflag:s9], $0x8000  }
0x10: {  	s15 =	sshrl.u32 s14, $0x1;
	s13 =	sadd.s32 s11, s10;
	[sflag:s9] =	ssyncset.done $0x0  }
0x11: {  	s11 =	simm.s32 $0x2;
	s10 =	sadd.s32 $0x4A4800, s13;
	[sflag:s9] =	ssyncadd.s32 $0xFFFF8000  }
0x12: {  	[hbm4b:s10+s2] =	stream.linear.scatter [tilespmem:s7], [sflag:$0x3], $0x8000, $0x38;
	[tilespmem:$0x10200] =	vst v63  }
0x13: {  	s14 =	ssub.s32 s14, s15;
	_ =	swait.ge [sflag:s11], $0x8000  }
0x14: {  	s15 =	smax.u32 s14, $0x1;
	s12 =	sadd.s32 $0x4A5800, s13;
	[sflag:s11] =	ssyncset.done $0x0  }
0x15: {  	s13 =	simm.s32 $0x3;
	p0 =	sne.s32 s15, $0x1;
	[sflag:s11] =	ssyncadd.s32 $0xFFFF8000  }
0x16: {  	[hbm4b:s12+s2] =	stream.linear.scatter [tilespmem:s8], [sflag:$0x4], $0x8000, $0x38;
	[tilespmem:$0x10200] =	vst v63  }
.Ltmp0:
0x17: {  	_ =	swait.ge [sflag:s13], $0x8000;
	(pc) =	sbr.rel @!p0 .LBB2_2-.Ltmp0, $4  }
0x18: {  	[sflag:s13] =	ssyncset.done $0x0  }
0x19: {  	s14 =	simm.s32 $0x4;
	[sflag:s13] =	ssyncadd.s32 $0xFFFF8000  }
0x1a: {  	_ =	swait.ge [sflag:s14], $0x8000  }
0x1b: {  	s15 =	sadd.s32 $0xFFFFFFFF, s15;
	[sflag:s14] =	ssyncset.done $0x0  }
.LBB2_1:
0x1c: {  	p0 =	sne.s32 s15, $0x1;
	s15 =	sadd.s32 $0xFFFFFFFF, s15;
	[sflag:s14] =	ssyncadd.s32 $0xFFFF8000  }
0x1d: {  	[tilespmem:s2], [sflag:$0x5] =	stream.linear.gather [hbm4b:s3+s2], $0x200, $0x38;
	[tilespmem:$0x10200] =	vst v63  }
0x1e: {  	_ =	swait.ge [sflag:s4], $0x200  }
0x1f: {  	[sflag:s4] =	ssyncset.done $0x0  }
0x20: {  	[sflag:s4] =	ssyncadd.s32 $0xFFFFFE00  }
0x21: {  	[tilespmem:s7], [sflag:$0x1] =	stream.indirect.gather [hbm4b:s5+s6], $0x80, s2, s6, $0xb8;
	[tilespmem:$0x10200] =	vst v63  }
0x22: {  	_ = 	snop  }
0x23: {  	[tilespmem:s8], [sflag:$0x2] =	stream.indirect.gather [hbm4b:s5+s6], $0x80, s6, s6, $0xb8;
	[tilespmem:$0x10200] =	vst v63  }
0x24: {  	_ =	swait.ge [sflag:s9], $0x8000  }
0x25: {  	[sflag:s9] =	ssyncset.done $0x0  }
0x26: {  	[sflag:s9] =	ssyncadd.s32 $0xFFFF8000  }
0x27: {  	[hbm4b:s10+s2] =	stream.linear.scatter [tilespmem:s7], [sflag:$0x3], $0x8000, $0x38;
	[tilespmem:$0x10200] =	vst v63  }
0x28: {  	_ =	swait.ge [sflag:s11], $0x8000  }
0x29: {  	[sflag:s11] =	ssyncset.done $0x0  }
0x2a: {  	[sflag:s11] =	ssyncadd.s32 $0xFFFF8000  }
0x2b: {  	[hbm4b:s12+s2] =	stream.linear.scatter [tilespmem:s8], [sflag:$0x4], $0x8000, $0x38;
	[tilespmem:$0x10200] =	vst v63  }
.Ltmp1:
0x2c: {  	_ =	swait.ge [sflag:s13], $0x8000;
	(pc) =	sbr.rel @p0 .LBB2_1-.Ltmp1, $4  }
0x2d: {  	[sflag:s13] =	ssyncset.done $0x0  }
0x2e: {  	[sflag:s13] =	ssyncadd.s32 $0xFFFF8000  }
0x2f: {  	_ =	swait.ge [sflag:s14], $0x8000  }
0x30: {  	[sflag:s14] =	ssyncset.done $0x0  }
.LBB2_2:
0x31: {  	[sflag:s14] =	ssyncadd.s32 $0xFFFF8000  }
0x32: {  	_ =	sfence.sel $0x180000  }
0x33: {  	[bflag:$0x0] =	sbarrier.arrive $0xFFFF  }
0x34: {  	p0 =	sne.s32 s0, $0x0;
	_ =	strace $0x90000050  }
0x35: {  	s0 =	sadd.s32 @!p0 $0x100000, s1;
	[bflag:$0x2] =	sbarrier.arrive $0xFFFF  }
0x36: {  	[sflag:s0] =	ssyncadd.tile.s32 @!p0 $0x1;
	_ =	shalt  }
.Lfunc_end2:
_tile_overlayer_lowered:
.L_overlay_start_2:
0x37: {  	(tag) =	ssettag $0x2  }
0x38: {  	s0 =	rddreg [dreg:$0x0];
	s2 =	stileid.u32  }
0x39: {  	s1 =	rddreg [dreg:$0x1];
	p0 =	sne.s32 s2, $0x0  }
0x3a: {  	s3 =	rddreg [dreg:$0x2];
	[bflag:$0x3] =	sbarrier.arrive $0xFFFF;
	s2 =	simm.s32 @!p0 $0x1C05  }
0x3b: {  	[timem:s3], [sflag:s2] =	dma.local @!p0 [hbm:s0], s1  }
0x3c: {  	s0 =	simm.s32 @!p0 $0x5  }
0x3d: {  	_ =	swait.ge @!p0 [sflag:s0], s1  }
0x3e: {  	s1 =	ssub.s32 @!p0 $0x0, s1;
	[sflag:s0] =	ssyncset.done @!p0 $0x0  }
0x3f: {  	[sflag:s0] =	ssyncadd.s32 @!p0 s1  }
0x40: {  	[bflag:$0x3] =	sbarrier.arrive $0xFFFF  }
0x41: {  	_ =	shalt  }

// kernel: kernel.14.cloned.1.call-start
scs
__scs_entry_jumppad:
0x0: {  	(pc) =	sbr.rel $0x88, $3  }
0x1: {  	(tag) =	ssettag $0x0;
	lr =	simm.s32 $0x1  }
0x2: {  	[smem:$0x3F9B] =	sst lr;
	_ =	strace $0xD0000000  }
0x3: {  	_ = 	snop  }
0x4: {  	_ = 	snop  }
0x5: {  	_ = 	snop  }
0x6: {  	_ = 	snop  }
0x7: {  	_ = 	snop  }
__scs_overlays_trampoline_lowered:
0x8: {  	[smem:$0x3FAA] =	sst s0  }
0x9: {  	[smem:$0x3FAB] =	sst s1  }
0xa: {  	[smem:$0x3FAC] =	sst s2  }
0xb: {  	[smem:$0x3FAD] =	sst s3  }
0xc: {  	[smem:$0x3FAE] =	sst s4  }
0xd: {  	[smem:$0x3FAF] =	sst s5  }
0xe: {  	[smem:$0x3FB0] =	sst s6  }
0xf: {  	[smem:$0x3FB1] =	sst s7  }
0x10: {  	[smem:$0x3FB2] =	sst s8  }
0x11: {  	[smem:$0x3FB3] =	sst s9;
	s0 =	simm.s32 @!p0 $0x0  }
0x12: {  	s1 =	sld [smem:$0x3F99];
	s0 =	simm.s32 @p0 $0x1  }
0x13: {  	[smem:$0x3FB4] =	sst s0;
	s0 =	simm.s32 @!p1 $0x0  }
0x14: {  	s2 =	sld [smem:$0x3F98];
	s0 =	simm.s32 @p1 $0x1  }
0x15: {  	[smem:$0x3FB5] =	sst s0;
	s0 =	simm.s32 @!p2 $0x0  }
0x16: {  	s3 =	sld [smem:$0x3FDB];
	s0 =	simm.s32 @p2 $0x1  }
0x17: {  	s4 =	simm.s32 $0x1BF5;
	[smem:$0x3FB7] =	sst s0  }
0x18: {  	s0 =	sld [smem:$0x3F9A];
	_ =	swait.ge [sflag:s4], $0x0  }
0x19: {  	s7 =	sld [smem:$0x3F9B]  }
0x1a: {  	s8 =	sadd.s32 $0xFFFFE003, lr  }
0x1b: {  	s9 =	sadd.s32 $0xFFFFFEF7, lr;
	s5 =	simm.s32 $0xFFFFFFFF;
	p2 =	slt.u32 s8, $0xFFFFF086  }
0x1c: {  	p1 =	slt.u32 s9, $0xF7A;
	s5 =	simm.s32 @!p2 $0x0  }
0x1d: {  	s5 =	simm.s32 @p1 $0x1;
	p0 =	seq.s32 s7, s2  }
0x1e: {  	s7 =	smul.u32 @!p0 $0xF7A, s2;
	p2 =	seq.s32 @!p0 s5, $0x0  }
0x1f: {  	s9 =	smul.u32 $0xF7A, s1;
	s8 =	simm.s32 @!p0 $0x1BF5;
	p2 =	por !p2, p0  }
0x20: {  	[sflag:s8] =	ssyncset.s32 @!p0 $0xFFFFF086;
	s6 =	sadd.s32 @!p0 s3, s7;
	s7 =	simm.s32 @!p0 $0x108  }
0x21: {  	s3 =	sadd.s32 s3, s9;
	s6 =	sadd.s32 @!p0 $0x88, s6;
	s7 =	simm.s32 @p2 $0x1082  }
0x22: {  	[simem:s7], [sflag:s8] =	dma.local @!p0 [hbm:s6], $0xF7A  }
0x23: {  	s9 =	sor.u32 $0xD0000000, s2;
	s6 =	simm.s32 $0x108;
	_ =	swait.ge @!p0 [sflag:s8], $0x0  }
0x24: {  	s3 =	sadd.s32 $0x88, s3;
	s6 =	simm.s32 @!p1 $0x1082;
	[sflag:s4] =	ssyncset.s32 $0xFFFFF086  }
0x25: {  	[simem:s6], [sflag:s4] =	dma.local [hbm:s3], $0xF7A  }
0x26: {  	[smem:$0x3F9B] =	sst s1;
	(tag) =	ssettag s2;
	_ =	strace s9  }
0x27: {  	s1 =	sld [smem:$0x3FAB]  }
0x28: {  	s2 =	sld [smem:$0x3FAC]  }
0x29: {  	s4 =	sld [smem:$0x3FAE]  }
0x2a: {  	p0 =	seq.s32 s5, $0x0;
	s5 =	sld [smem:$0x3FAF]  }
0x2b: {  	s6 =	sld [smem:$0x3FB0]  }
0x2c: {  	s7 =	sld [smem:$0x3FB1]  }
0x2d: {  	s3 =	simm.s32 $0x108;
	s8 =	sld [smem:$0x3FB2]  }
0x2e: {  	s3 =	simm.s32 @!p0 $0x1082;
	s9 =	sld [smem:$0x3FB3]  }
0x2f: {  	lr =	sadd.s32 s0, s3;
	s0 =	sld [smem:$0x3FAA]  }
0x30: {  	s3 =	sld [smem:$0x3FAD]  }
0x31: {  	[smem:$0x3FB6] =	sst s10  }
0x32: {  	s10 =	sld [smem:$0x3FB4];
	_ =	sdelay $0x3  }
0x33: {  	p0 =	seq.s32 s10, $0x1;
	s10 =	sld [smem:$0x3FB6];
	_ =	sdelay $0x3  }
0x34: {  	[smem:$0x3FB6] =	sst s10  }
0x35: {  	s10 =	sld [smem:$0x3FB5];
	_ =	sdelay $0x3  }
0x36: {  	p1 =	seq.s32 s10, $0x1;
	s10 =	sld [smem:$0x3FB6];
	_ =	sdelay $0x3  }
0x37: {  	[smem:$0x3FB6] =	sst s10  }
0x38: {  	s10 =	sld [smem:$0x3FB7]  }
0x39: {  	_ = 	snop;
	(pc) =	sbr.ind lr, $3  }
0x3a: {  	_ = 	snop  }
0x3b: {  	_ = 	snop  }
0x3c: {  	p2 =	seq.s32 s10, $0x1;
	s10 =	sld [smem:$0x3FB6]  }
0x3d: {  	_ =	shalt  }
0x3e: {  	_ =	shalt  }
0x3f: {  	_ =	shalt  }
0x40: {  	_ =	shalt  }
0x41: {  	_ =	shalt  }
0x42: {  	_ =	shalt  }
0x43: {  	_ =	shalt  }
0x44: {  	_ =	shalt  }
0x45: {  	_ =	shalt  }
0x46: {  	_ =	shalt  }
0x47: {  	_ =	shalt  }
0x48: {  	_ =	shalt  }
0x49: {  	_ =	shalt  }
0x4a: {  	_ =	shalt  }
0x4b: {  	_ =	shalt  }
0x4c: {  	_ =	shalt  }
0x4d: {  	_ =	shalt  }
0x4e: {  	_ =	shalt  }
0x4f: {  	_ =	shalt  }
0x50: {  	_ =	shalt  }
0x51: {  	_ =	shalt  }
0x52: {  	_ =	shalt  }
0x53: {  	_ =	shalt  }
0x54: {  	_ =	shalt  }
0x55: {  	_ =	shalt  }
0x56: {  	_ =	shalt  }
0x57: {  	_ =	shalt  }
0x58: {  	_ =	shalt  }
0x59: {  	_ =	shalt  }
0x5a: {  	_ =	shalt  }
0x5b: {  	_ =	shalt  }
0x5c: {  	_ =	shalt  }
0x5d: {  	_ =	shalt  }
0x5e: {  	_ =	shalt  }
0x5f: {  	_ =	shalt  }
0x60: {  	_ =	shalt  }
0x61: {  	_ =	shalt  }
0x62: {  	_ =	shalt  }
0x63: {  	_ =	shalt  }
0x64: {  	_ =	shalt  }
0x65: {  	_ =	shalt  }
0x66: {  	_ =	shalt  }
0x67: {  	_ =	shalt  }
0x68: {  	_ =	shalt  }
0x69: {  	_ =	shalt  }
0x6a: {  	_ =	shalt  }
0x6b: {  	_ =	shalt  }
0x6c: {  	_ =	shalt  }
0x6d: {  	_ =	shalt  }
0x6e: {  	_ =	shalt  }
0x6f: {  	_ =	shalt  }
0x70: {  	_ =	shalt  }
0x71: {  	_ =	shalt  }
0x72: {  	_ =	shalt  }
0x73: {  	_ =	shalt  }
0x74: {  	_ =	shalt  }
0x75: {  	_ =	shalt  }
0x76: {  	_ =	shalt  }
0x77: {  	_ =	shalt  }
0x78: {  	_ =	shalt  }
0x79: {  	_ =	shalt  }
0x7a: {  	_ =	shalt  }
0x7b: {  	_ =	shalt  }
0x7c: {  	_ =	shalt  }
0x7d: {  	_ =	shalt  }
0x7e: {  	_ =	shalt  }
0x7f: {  	_ =	shalt  }
0x80: {  	_ =	shalt  }
0x81: {  	_ =	shalt  }
0x82: {  	_ =	shalt  }
0x83: {  	_ =	shalt  }
0x84: {  	_ =	shalt  }
0x85: {  	_ =	shalt  }
0x86: {  	_ =	shalt  }
0x87: {  	_ =	shalt  }
.Lfunc_end0:
.L_simem_size_0:
called_computation.1_lowered:
.L_overlay_start_0:
0x88: {  	s2 =	sld [smem:$0x3FD9]  }
0x89: {  	s3 =	sld [smem:$0x3FFE];
	_ =	sdelay $0x1  }
0x8a: {  	s1 =	srdreg.scid  }
0x8b: {  	s0 =	sand.u32 $0x1, s1  }
0x8c: {  	s17 =	sshll.u32 s0, $0xA;
	s2 =	sadd.s32 s3, s2  }
0x8d: {  	s2 =	sadd.s32 s2, s17  }
0x8e: {  	[smem:$0x3FC2] =	sst s2  }
0x8f: {  	_ = 	snop  }
0x90: {  	(tm) =	ssettm $0x1  }
0x91: {  	s18 =	sld [smem:$0x3FFB];
	_ =	sdelay $0x3  }
0x92: {  	_ =	strace s18  }
0x93: {  	s2 =	sld [smem:$0x3FFC];
	_ =	sdelay $0x3  }
0x94: {  	_ =	strace s2  }
0x95: {  	s2 =	sld [smem:$0x3FFD];
	_ =	sdelay $0x3  }
0x96: {  	_ =	strace s2  }
0x97: {  	_ =	strace $0x8FFFFFFF  }
0x98: {  	s19 =	sld [smem:$0x3FDB];
	_ =	sdelay $0x1  }
0x99: {  	s20 =	simm.s32 $_scs_section_size  }
0x9a: {  	s4 =	simm.s32 $_size__tile_overlayer_lowered;
	s5 =	simm.s32 $_tile_overlayer_lowered  }
0x9b: {  	s6 =	simm.s32 $0x1BFF;
	s21 =	sshll.u32 s5, $0x1;
	s3 =	sadd.s32 s20, s19  }
0x9c: {  	s22 =	simm.s32 $0x0;
	s4 =	sshll.u32 s4, $0x1;
	s5 =	sadd.s32 s21, s3  }
0x9d: {  	[timem:s22], [sflag:s6] =	dma.local [hbm:s5], s4  }
0x9e: {  	_ =	swait.ge [sflag:s6], s4  }
0x9f: {  	s4 =	ssub.s32 $0x0, s4;
	[sflag:s6] =	ssyncset.done $0x0  }
0xa0: {  	[sflag:s6] =	ssyncadd.s32 s4;
	_ =	sdelay $0x1  }
0xa1: {  	s23 =	simm.s32 $0x1B8B  }
0xa2: {  	_ =	swait.ge [sflag:s23], $0x1  }
0xa3: {  	[sflag:s23] =	ssyncset.done $0x0  }
0xa4: {  	[sflag:s23] =	ssyncadd.s32 $0xFFFFFFFF  }
0xa5: {  	s4 =	sld [smem:$0x0]  }
0xa6: {  	s5 =	sand.u32 $0xFFFFFFFE, s1  }
0xa7: {  	p0 =	sne.s32 s1, s5  }
0xa8: {  	s5 =	sshll.u32 @p0 s5, $0xE  }
0xa9: {  	s5 =	sadd.s32 @p0 $0x11B8D, s5;
	s6 =	sshll.u32 @p0 s4, $0x11  }
0xaa: {  	s5 =	sor.u32 @p0 s6, s5  }
0xab: {  	[sflag:s5] =	ssyncadd.remote.s32 @p0 $0x1;
	_ =	sdelay $0x1  }
0xac: {  	s5 =	simm.s32 @p0 $0x1B8D  }
0xad: {  	_ =	swait.eq @p0 [sflag:s5], $0x1  }
0xae: {  	[sflag:s5] =	ssyncadd.s32 @p0 $0xFFFFFFFF  }
0xaf: {  	s6 =	sshll.u32 @!p0 s1, $0xE  }
0xb0: {  	s6 =	sor.u32 @!p0 $0x4000, s6;
	s5 =	simm.s32 @!p0 $0x1B8D  }
0xb1: {  	s4 =	sshll.u32 @!p0 s4, $0x11;
	s6 =	sadd.s32 @!p0 $0x11B8D, s6;
	_ =	swait.eq @!p0 [sflag:s5], $0x1  }
0xb2: {  	s4 =	sor.u32 @!p0 s4, s6;
	[sflag:s5] =	ssyncadd.s32 @!p0 $0xFFFFFFFF  }
0xb3: {  	s25 =	simm.s32 $0x1B8E;
	s24 =	sld [smem:$0x3FFE];
	[sflag:s4] =	ssyncadd.remote.s32 @!p0 $0x1  }
0xb4: {  	s26 =	simm.s32 $execute0_lowered;
	[smem:$0x3FD2] =	sst s25  }
0xb5: {  	s5 =	sshll.u32 s26, $0x1;
	_ =	strace $0x8000004C;
	[dreg:$0x1] =	wrdreg $0xFFFFFFFF  }
0xb6: {  	s28 =	simm.s32 $_size_execute0_lowered;
	s3 =	sadd.s32 s3, s5;
	[dreg:$0x0] =	wrdreg $0x0  }
0xb7: {  	s5 =	sshll.u32 s28, $0x1;
	[dreg:$0x2] =	wrdreg s3  }
0xb8: {  	[dreg:$0x3] =	wrdreg s5  }
0xb9: {  	[dreg:$0x4] =	wrdreg $0xC0  }
0xba: {  	_ =	task [dreg:s22], $0x5FFFF  }
0xbb: {  	[dreg:$0x1] =	wrdreg $0xFFFFFFFF  }
0xbc: {  	[dreg:$0x0] =	wrdreg $0x60  }
0xbd: {  	[dreg:$0x2] =	wrdreg s24  }
0xbe: {  	[dreg:$0x3] =	wrdreg $0xA  }
0xbf: {  	_ =	task.clear_ibuf [dreg:s22], $0x4FFFF;
	_ =	strace $0x9000004C  }
0xc0: {  	s29 =	simm.s32 $0xA;
	_ =	strace $0x8000004E  }
0xc1: {  	_ =	swait.ge [sflag:s29], $0x1  }
0xc2: {  	[sflag:s29] =	ssyncadd.s32 $0xFFFFFFFF  }
0xc3: {  	_ =	strace $0x9000004E  }
0xc4: {  	_ =	sfence  }
0xc5: {  	s30 =	sld [smem:$0x0];
	_ =	sdelay $0x2  }
0xc6: {  	s31 =	sshll.u32 s1, $0xD;
	s1 =	sshrl.u32 s1, $0x2  }
0xc7: {  	s4 =	sand.u32 $0x4000, s31;
	s1 =	sadd.s32 s1, s30  }
0xc8: {  	s0 =	sor.u32 s4, s0;
	s1 =	sshll.u32 s1, $0x11  }
0xc9: {  	s0 =	sor.u32 s1, s0  }
0xca: {  	s0 =	sadd.s32 $0x8F2B, s0  }
0xcb: {  	[sflag:s0] =	ssyncadd.remote.s32 $0x1  }
0xcc: {  	_ =	sfence.sel $0xFFFF  }
0xcd: {  	[dreg:$0x0] =	wrdreg $0xFFFFFFFF;
	(pc) =	sbr.abs _section_cstart, $3  }
0xce: {  	[dreg:$0x1] =	wrdreg $0xFFFFFFFF  }
0xcf: {  	_ =	task.clear_ibuf [dreg:s22], $0x2FFFF;
	_ =	strace $0x9FFFFFFF  }
0xd0: {  	(tm) =	ssettm $0x7FFFFFFF  }
0xd1: {  	_ =	shalt  }
tec
execute0_lowered:
.L_overlay_start_1:
0x0: {  	(tag) =	ssettag $0x1  }
0x1: {  	s1 =	srdreg.scid  }
0x2: {  	s0 =	stileid.u32;
	s12 =	sand.u32 $0x1, s1  }
0x3: {  	s31 =	sshll.u32 s0, $0xA;
	s2 =	sshll.u32 s12, $0x9  }
0x4: {  	s11 =	sor.u32 s2, s31  }
0x5: {  	s10 =	rddreg [dreg:$0x0];
	s2 =	simm.s32 $0x0;
	s3 =	sshrl.u32 s11, $0x3  }
0x6: {  	s4 =	simm.s32 $0x5;
	[smem:$0x7FF] =	sst s2;
	s3 =	sadd.s32 s3, s10  }
0x7: {  	s1 =	rddreg [dreg:$0x1];
	_ =	strace $0x8000004D;
	s3 =	sadd.s32 $0x3800, s3  }
0x8: {  	[tilespmem:s2], [sflag:$0x5] =	stream.linear.gather [hbm4b:s3+s2], $0x200, $0x38;
	[tilespmem:$0x10200] =	vst v63  }
0x9: {  	_ =	swait.ge [sflag:s4], $0x200  }
0xa: {  	s6 =	simm.s32 $0x100;
	[sflag:s4] =	ssyncset.done $0x0  }
0xb: {  	s7 =	simm.s32 $0x200;
	s5 =	sadd.s32 $0x4800, s10;
	[sflag:s4] =	ssyncadd.s32 $0xFFFFFE00  }
0xc: {  	[tilespmem:s7], [sflag:$0x1] =	stream.indirect.gather [hbm4b:s5+s6], $0x80, s2, s6, $0xb8;
	[tilespmem:$0x10200] =	vst v63  }
0xd: {  	s8 =	simm.s32 $0x8200;
	s9 =	simm.s32 $0x1  }
0xe: {  	[tilespmem:s8], [sflag:$0x2] =	stream.indirect.gather [hbm4b:s5+s6], $0x80, s6, s6, $0xb8;
	[tilespmem:$0x10200] =	vst v63  }
0xf: {  	s14 =	ssub.s32 $0x2, s12;
	s11 =	sshll.u32 s11, $0x4;
	_ =	swait.ge [sflag:s9], $0x8000  }
0x10: {  	s15 =	sshrl.u32 s14, $0x1;
	s13 =	sadd.s32 s11, s10;
	[sflag:s9] =	ssyncset.done $0x0  }
0x11: {  	s11 =	simm.s32 $0x2;
	s10 =	sadd.s32 $0x464800, s13;
	[sflag:s9] =	ssyncadd.s32 $0xFFFF8000  }
0x12: {  	[hbm4b:s10+s2] =	stream.linear.scatter [tilespmem:s7], [sflag:$0x3], $0x8000, $0x38;
	[tilespmem:$0x10200] =	vst v63  }
0x13: {  	s14 =	ssub.s32 s14, s15;
	_ =	swait.ge [sflag:s11], $0x8000  }
0x14: {  	s15 =	smax.u32 s14, $0x1;
	s12 =	sadd.s32 $0x465800, s13;
	[sflag:s11] =	ssyncset.done $0x0  }
0x15: {  	s13 =	simm.s32 $0x3;
	p0 =	sne.s32 s15, $0x1;
	[sflag:s11] =	ssyncadd.s32 $0xFFFF8000  }
0x16: {  	[hbm4b:s12+s2] =	stream.linear.scatter [tilespmem:s8], [sflag:$0x4], $0x8000, $0x38;
	[tilespmem:$0x10200] =	vst v63  }
.Ltmp0:
0x17: {  	_ =	swait.ge [sflag:s13], $0x8000;
	(pc) =	sbr.rel @!p0 .LBB2_2-.Ltmp0, $4  }
0x18: {  	[sflag:s13] =	ssyncset.done $0x0  }
0x19: {  	s14 =	simm.s32 $0x4;
	[sflag:s13] =	ssyncadd.s32 $0xFFFF8000  }
0x1a: {  	_ =	swait.ge [sflag:s14], $0x8000  }
0x1b: {  	s15 =	sadd.s32 $0xFFFFFFFF, s15;
	[sflag:s14] =	ssyncset.done $0x0  }
.LBB2_1:
0x1c: {  	p0 =	sne.s32 s15, $0x1;
	s15 =	sadd.s32 $0xFFFFFFFF, s15;
	[sflag:s14] =	ssyncadd.s32 $0xFFFF8000  }
0x1d: {  	[tilespmem:s2], [sflag:$0x5] =	stream.linear.gather [hbm4b:s3+s2], $0x200, $0x38;
	[tilespmem:$0x10200] =	vst v63  }
0x1e: {  	_ =	swait.ge [sflag:s4], $0x200  }
0x1f: {  	[sflag:s4] =	ssyncset.done $0x0  }
0x20: {  	[sflag:s4] =	ssyncadd.s32 $0xFFFFFE00  }
0x21: {  	[tilespmem:s7], [sflag:$0x1] =	stream.indirect.gather [hbm4b:s5+s6], $0x80, s2, s6, $0xb8;
	[tilespmem:$0x10200] =	vst v63  }
0x22: {  	_ = 	snop  }
0x23: {  	[tilespmem:s8], [sflag:$0x2] =	stream.indirect.gather [hbm4b:s5+s6], $0x80, s6, s6, $0xb8;
	[tilespmem:$0x10200] =	vst v63  }
0x24: {  	_ =	swait.ge [sflag:s9], $0x8000  }
0x25: {  	[sflag:s9] =	ssyncset.done $0x0  }
0x26: {  	[sflag:s9] =	ssyncadd.s32 $0xFFFF8000  }
0x27: {  	[hbm4b:s10+s2] =	stream.linear.scatter [tilespmem:s7], [sflag:$0x3], $0x8000, $0x38;
	[tilespmem:$0x10200] =	vst v63  }
0x28: {  	_ =	swait.ge [sflag:s11], $0x8000  }
0x29: {  	[sflag:s11] =	ssyncset.done $0x0  }
0x2a: {  	[sflag:s11] =	ssyncadd.s32 $0xFFFF8000  }
0x2b: {  	[hbm4b:s12+s2] =	stream.linear.scatter [tilespmem:s8], [sflag:$0x4], $0x8000, $0x38;
	[tilespmem:$0x10200] =	vst v63  }
.Ltmp1:
0x2c: {  	_ =	swait.ge [sflag:s13], $0x8000;
	(pc) =	sbr.rel @p0 .LBB2_1-.Ltmp1, $4  }
0x2d: {  	[sflag:s13] =	ssyncset.done $0x0  }
0x2e: {  	[sflag:s13] =	ssyncadd.s32 $0xFFFF8000  }
0x2f: {  	_ =	swait.ge [sflag:s14], $0x8000  }
0x30: {  	[sflag:s14] =	ssyncset.done $0x0  }
.LBB2_2:
0x31: {  	[sflag:s14] =	ssyncadd.s32 $0xFFFF8000  }
0x32: {  	_ =	sfence.sel $0x180000  }
0x33: {  	[bflag:$0x0] =	sbarrier.arrive $0xFFFF  }
0x34: {  	p0 =	sne.s32 s0, $0x0;
	_ =	strace $0x9000004D  }
0x35: {  	s0 =	sadd.s32 @!p0 $0x100000, s1;
	[bflag:$0x2] =	sbarrier.arrive $0xFFFF  }
0x36: {  	[sflag:s0] =	ssyncadd.tile.s32 @!p0 $0x1;
	_ =	shalt  }
.Lfunc_end2:
_tile_overlayer_lowered:
.L_overlay_start_2:
0x37: {  	(tag) =	ssettag $0x2  }
0x38: {  	s0 =	rddreg [dreg:$0x0];
	s2 =	stileid.u32  }
0x39: {  	s1 =	rddreg [dreg:$0x1];
	p0 =	sne.s32 s2, $0x0  }
0x3a: {  	s3 =	rddreg [dreg:$0x2];
	[bflag:$0x3] =	sbarrier.arrive $0xFFFF;
	s2 =	simm.s32 @!p0 $0x1C05  }
0x3b: {  	[timem:s3], [sflag:s2] =	dma.local @!p0 [hbm:s0], s1  }
0x3c: {  	s0 =	simm.s32 @!p0 $0x5  }
0x3d: {  	_ =	swait.ge @!p0 [sflag:s0], s1  }
0x3e: {  	s1 =	ssub.s32 @!p0 $0x0, s1;
	[sflag:s0] =	ssyncset.done @!p0 $0x0  }
0x3f: {  	[sflag:s0] =	ssyncadd.s32 @!p0 s1  }
0x40: {  	[bflag:$0x3] =	sbarrier.arrive $0xFFFF  }
0x41: {  	_ =	shalt  }

// kernel: kernel.17.cloned.1.call-start
scs
__scs_entry_jumppad:
0x0: {  	(pc) =	sbr.rel $0x88, $3  }
0x1: {  	(tag) =	ssettag $0x0;
	lr =	simm.s32 $0x1  }
0x2: {  	[smem:$0x3F9B] =	sst lr;
	_ =	strace $0xD0000000  }
0x3: {  	_ = 	snop  }
0x4: {  	_ = 	snop  }
0x5: {  	_ = 	snop  }
0x6: {  	_ = 	snop  }
0x7: {  	_ = 	snop  }
__scs_overlays_trampoline_lowered:
0x8: {  	[smem:$0x3FAA] =	sst s0  }
0x9: {  	[smem:$0x3FAB] =	sst s1  }
0xa: {  	[smem:$0x3FAC] =	sst s2  }
0xb: {  	[smem:$0x3FAD] =	sst s3  }
0xc: {  	[smem:$0x3FAE] =	sst s4  }
0xd: {  	[smem:$0x3FAF] =	sst s5  }
0xe: {  	[smem:$0x3FB0] =	sst s6  }
0xf: {  	[smem:$0x3FB1] =	sst s7  }
0x10: {  	[smem:$0x3FB2] =	sst s8  }
0x11: {  	[smem:$0x3FB3] =	sst s9;
	s0 =	simm.s32 @!p0 $0x0  }
0x12: {  	s1 =	sld [smem:$0x3F99];
	s0 =	simm.s32 @p0 $0x1  }
0x13: {  	[smem:$0x3FB4] =	sst s0;
	s0 =	simm.s32 @!p1 $0x0  }
0x14: {  	s2 =	sld [smem:$0x3F98];
	s0 =	simm.s32 @p1 $0x1  }
0x15: {  	[smem:$0x3FB5] =	sst s0;
	s0 =	simm.s32 @!p2 $0x0  }
0x16: {  	s3 =	sld [smem:$0x3FDB];
	s0 =	simm.s32 @p2 $0x1  }
0x17: {  	s4 =	simm.s32 $0x1BF5;
	[smem:$0x3FB7] =	sst s0  }
0x18: {  	s0 =	sld [smem:$0x3F9A];
	_ =	swait.ge [sflag:s4], $0x0  }
0x19: {  	s7 =	sld [smem:$0x3F9B]  }
0x1a: {  	s8 =	sadd.s32 $0xFFFFE003, lr  }
0x1b: {  	s9 =	sadd.s32 $0xFFFFFEF7, lr;
	s5 =	simm.s32 $0xFFFFFFFF;
	p2 =	slt.u32 s8, $0xFFFFF086  }
0x1c: {  	p1 =	slt.u32 s9, $0xF7A;
	s5 =	simm.s32 @!p2 $0x0  }
0x1d: {  	s5 =	simm.s32 @p1 $0x1;
	p0 =	seq.s32 s7, s2  }
0x1e: {  	s7 =	smul.u32 @!p0 $0xF7A, s2;
	p2 =	seq.s32 @!p0 s5, $0x0  }
0x1f: {  	s9 =	smul.u32 $0xF7A, s1;
	s8 =	simm.s32 @!p0 $0x1BF5;
	p2 =	por !p2, p0  }
0x20: {  	[sflag:s8] =	ssyncset.s32 @!p0 $0xFFFFF086;
	s6 =	sadd.s32 @!p0 s3, s7;
	s7 =	simm.s32 @!p0 $0x108  }
0x21: {  	s3 =	sadd.s32 s3, s9;
	s6 =	sadd.s32 @!p0 $0x88, s6;
	s7 =	simm.s32 @p2 $0x1082  }
0x22: {  	[simem:s7], [sflag:s8] =	dma.local @!p0 [hbm:s6], $0xF7A  }
0x23: {  	s9 =	sor.u32 $0xD0000000, s2;
	s6 =	simm.s32 $0x108;
	_ =	swait.ge @!p0 [sflag:s8], $0x0  }
0x24: {  	s3 =	sadd.s32 $0x88, s3;
	s6 =	simm.s32 @!p1 $0x1082;
	[sflag:s4] =	ssyncset.s32 $0xFFFFF086  }
0x25: {  	[simem:s6], [sflag:s4] =	dma.local [hbm:s3], $0xF7A  }
0x26: {  	[smem:$0x3F9B] =	sst s1;
	(tag) =	ssettag s2;
	_ =	strace s9  }
0x27: {  	s1 =	sld [smem:$0x3FAB]  }
0x28: {  	s2 =	sld [smem:$0x3FAC]  }
0x29: {  	s4 =	sld [smem:$0x3FAE]  }
0x2a: {  	p0 =	seq.s32 s5, $0x0;
	s5 =	sld [smem:$0x3FAF]  }
0x2b: {  	s6 =	sld [smem:$0x3FB0]  }
0x2c: {  	s7 =	sld [smem:$0x3FB1]  }
0x2d: {  	s3 =	simm.s32 $0x108;
	s8 =	sld [smem:$0x3FB2]  }
0x2e: {  	s3 =	simm.s32 @!p0 $0x1082;
	s9 =	sld [smem:$0x3FB3]  }
0x2f: {  	lr =	sadd.s32 s0, s3;
	s0 =	sld [smem:$0x3FAA]  }
0x30: {  	s3 =	sld [smem:$0x3FAD]  }
0x31: {  	[smem:$0x3FB6] =	sst s10  }
0x32: {  	s10 =	sld [smem:$0x3FB4];
	_ =	sdelay $0x3  }
0x33: {  	p0 =	seq.s32 s10, $0x1;
	s10 =	sld [smem:$0x3FB6];
	_ =	sdelay $0x3  }
0x34: {  	[smem:$0x3FB6] =	sst s10  }
0x35: {  	s10 =	sld [smem:$0x3FB5];
	_ =	sdelay $0x3  }
0x36: {  	p1 =	seq.s32 s10, $0x1;
	s10 =	sld [smem:$0x3FB6];
	_ =	sdelay $0x3  }
0x37: {  	[smem:$0x3FB6] =	sst s10  }
0x38: {  	s10 =	sld [smem:$0x3FB7]  }
0x39: {  	_ = 	snop;
	(pc) =	sbr.ind lr, $3  }
0x3a: {  	_ = 	snop  }
0x3b: {  	_ = 	snop  }
0x3c: {  	p2 =	seq.s32 s10, $0x1;
	s10 =	sld [smem:$0x3FB6]  }
0x3d: {  	_ =	shalt  }
0x3e: {  	_ =	shalt  }
0x3f: {  	_ =	shalt  }
0x40: {  	_ =	shalt  }
0x41: {  	_ =	shalt  }
0x42: {  	_ =	shalt  }
0x43: {  	_ =	shalt  }
0x44: {  	_ =	shalt  }
0x45: {  	_ =	shalt  }
0x46: {  	_ =	shalt  }
0x47: {  	_ =	shalt  }
0x48: {  	_ =	shalt  }
0x49: {  	_ =	shalt  }
0x4a: {  	_ =	shalt  }
0x4b: {  	_ =	shalt  }
0x4c: {  	_ =	shalt  }
0x4d: {  	_ =	shalt  }
0x4e: {  	_ =	shalt  }
0x4f: {  	_ =	shalt  }
0x50: {  	_ =	shalt  }
0x51: {  	_ =	shalt  }
0x52: {  	_ =	shalt  }
0x53: {  	_ =	shalt  }
0x54: {  	_ =	shalt  }
0x55: {  	_ =	shalt  }
0x56: {  	_ =	shalt  }
0x57: {  	_ =	shalt  }
0x58: {  	_ =	shalt  }
0x59: {  	_ =	shalt  }
0x5a: {  	_ =	shalt  }
0x5b: {  	_ =	shalt  }
0x5c: {  	_ =	shalt  }
0x5d: {  	_ =	shalt  }
0x5e: {  	_ =	shalt  }
0x5f: {  	_ =	shalt  }
0x60: {  	_ =	shalt  }
0x61: {  	_ =	shalt  }
0x62: {  	_ =	shalt  }
0x63: {  	_ =	shalt  }
0x64: {  	_ =	shalt  }
0x65: {  	_ =	shalt  }
0x66: {  	_ =	shalt  }
0x67: {  	_ =	shalt  }
0x68: {  	_ =	shalt  }
0x69: {  	_ =	shalt  }
0x6a: {  	_ =	shalt  }
0x6b: {  	_ =	shalt  }
0x6c: {  	_ =	shalt  }
0x6d: {  	_ =	shalt  }
0x6e: {  	_ =	shalt  }
0x6f: {  	_ =	shalt  }
0x70: {  	_ =	shalt  }
0x71: {  	_ =	shalt  }
0x72: {  	_ =	shalt  }
0x73: {  	_ =	shalt  }
0x74: {  	_ =	shalt  }
0x75: {  	_ =	shalt  }
0x76: {  	_ =	shalt  }
0x77: {  	_ =	shalt  }
0x78: {  	_ =	shalt  }
0x79: {  	_ =	shalt  }
0x7a: {  	_ =	shalt  }
0x7b: {  	_ =	shalt  }
0x7c: {  	_ =	shalt  }
0x7d: {  	_ =	shalt  }
0x7e: {  	_ =	shalt  }
0x7f: {  	_ =	shalt  }
0x80: {  	_ =	shalt  }
0x81: {  	_ =	shalt  }
0x82: {  	_ =	shalt  }
0x83: {  	_ =	shalt  }
0x84: {  	_ =	shalt  }
0x85: {  	_ =	shalt  }
0x86: {  	_ =	shalt  }
0x87: {  	_ =	shalt  }
.Lfunc_end0:
.L_simem_size_0:
called_computation.2_lowered:
.L_overlay_start_0:
0x88: {  	s2 =	sld [smem:$0x3FD9]  }
0x89: {  	s3 =	sld [smem:$0x3FFE];
	_ =	sdelay $0x1  }
0x8a: {  	s1 =	srdreg.scid  }
0x8b: {  	s0 =	sand.u32 $0x1, s1  }
0x8c: {  	s17 =	sshll.u32 s0, $0xA;
	s2 =	sadd.s32 s3, s2  }
0x8d: {  	s2 =	sadd.s32 s2, s17  }
0x8e: {  	[smem:$0x3FC2] =	sst s2  }
0x8f: {  	_ = 	snop  }
0x90: {  	(tm) =	ssettm $0x1  }
0x91: {  	s18 =	sld [smem:$0x3FFB];
	_ =	sdelay $0x3  }
0x92: {  	_ =	strace s18  }
0x93: {  	s2 =	sld [smem:$0x3FFC];
	_ =	sdelay $0x3  }
0x94: {  	_ =	strace s2  }
0x95: {  	s2 =	sld [smem:$0x3FFD];
	_ =	sdelay $0x3  }
0x96: {  	_ =	strace s2  }
0x97: {  	_ =	strace $0x8FFFFFFF  }
0x98: {  	s19 =	sld [smem:$0x3FDB];
	_ =	sdelay $0x1  }
0x99: {  	s20 =	simm.s32 $_scs_section_size  }
0x9a: {  	s4 =	simm.s32 $_size__tile_overlayer_lowered;
	s5 =	simm.s32 $_tile_overlayer_lowered  }
0x9b: {  	s6 =	simm.s32 $0x1BFF;
	s21 =	sshll.u32 s5, $0x1;
	s3 =	sadd.s32 s20, s19  }
0x9c: {  	s22 =	simm.s32 $0x0;
	s4 =	sshll.u32 s4, $0x1;
	s5 =	sadd.s32 s21, s3  }
0x9d: {  	[timem:s22], [sflag:s6] =	dma.local [hbm:s5], s4  }
0x9e: {  	_ =	swait.ge [sflag:s6], s4  }
0x9f: {  	s4 =	ssub.s32 $0x0, s4;
	[sflag:s6] =	ssyncset.done $0x0  }
0xa0: {  	[sflag:s6] =	ssyncadd.s32 s4;
	_ =	sdelay $0x1  }
0xa1: {  	s23 =	simm.s32 $0x1B8B  }
0xa2: {  	_ =	swait.ge [sflag:s23], $0x1  }
0xa3: {  	[sflag:s23] =	ssyncset.done $0x0  }
0xa4: {  	[sflag:s23] =	ssyncadd.s32 $0xFFFFFFFF  }
0xa5: {  	s4 =	sld [smem:$0x0]  }
0xa6: {  	s5 =	sand.u32 $0xFFFFFFFE, s1  }
0xa7: {  	p0 =	sne.s32 s1, s5  }
0xa8: {  	s5 =	sshll.u32 @p0 s5, $0xE  }
0xa9: {  	s5 =	sadd.s32 @p0 $0x11B8D, s5;
	s6 =	sshll.u32 @p0 s4, $0x11  }
0xaa: {  	s5 =	sor.u32 @p0 s6, s5  }
0xab: {  	[sflag:s5] =	ssyncadd.remote.s32 @p0 $0x1;
	_ =	sdelay $0x1  }
0xac: {  	s5 =	simm.s32 @p0 $0x1B8D  }
0xad: {  	_ =	swait.eq @p0 [sflag:s5], $0x1  }
0xae: {  	[sflag:s5] =	ssyncadd.s32 @p0 $0xFFFFFFFF  }
0xaf: {  	s6 =	sshll.u32 @!p0 s1, $0xE  }
0xb0: {  	s6 =	sor.u32 @!p0 $0x4000, s6;
	s5 =	simm.s32 @!p0 $0x1B8D  }
0xb1: {  	s4 =	sshll.u32 @!p0 s4, $0x11;
	s6 =	sadd.s32 @!p0 $0x11B8D, s6;
	_ =	swait.eq @!p0 [sflag:s5], $0x1  }
0xb2: {  	s4 =	sor.u32 @!p0 s4, s6;
	[sflag:s5] =	ssyncadd.s32 @!p0 $0xFFFFFFFF  }
0xb3: {  	s25 =	simm.s32 $0x1B8E;
	s24 =	sld [smem:$0x3FFE];
	[sflag:s4] =	ssyncadd.remote.s32 @!p0 $0x1  }
0xb4: {  	s26 =	simm.s32 $execute0_lowered;
	[smem:$0x3FD2] =	sst s25  }
0xb5: {  	s5 =	sshll.u32 s26, $0x1;
	_ =	strace $0x80000049;
	[dreg:$0x1] =	wrdreg $0xFFFFFFFF  }
0xb6: {  	s28 =	simm.s32 $_size_execute0_lowered;
	s3 =	sadd.s32 s3, s5;
	[dreg:$0x0] =	wrdreg $0x0  }
0xb7: {  	s5 =	sshll.u32 s28, $0x1;
	[dreg:$0x2] =	wrdreg s3  }
0xb8: {  	[dreg:$0x3] =	wrdreg s5  }
0xb9: {  	[dreg:$0x4] =	wrdreg $0xC0  }
0xba: {  	_ =	task [dreg:s22], $0x5FFFF  }
0xbb: {  	[dreg:$0x1] =	wrdreg $0xFFFFFFFF  }
0xbc: {  	[dreg:$0x0] =	wrdreg $0x60  }
0xbd: {  	[dreg:$0x2] =	wrdreg s24  }
0xbe: {  	[dreg:$0x3] =	wrdreg $0xB  }
0xbf: {  	_ =	task.clear_ibuf [dreg:s22], $0x4FFFF;
	_ =	strace $0x90000049  }
0xc0: {  	s29 =	simm.s32 $0xB;
	_ =	strace $0x8000004B  }
0xc1: {  	_ =	swait.ge [sflag:s29], $0x1  }
0xc2: {  	[sflag:s29] =	ssyncadd.s32 $0xFFFFFFFF  }
0xc3: {  	_ =	strace $0x9000004B  }
0xc4: {  	_ =	sfence  }
0xc5: {  	s30 =	sld [smem:$0x0];
	_ =	sdelay $0x2  }
0xc6: {  	s31 =	sshll.u32 s1, $0xD;
	s1 =	sshrl.u32 s1, $0x2  }
0xc7: {  	s4 =	sand.u32 $0x4000, s31;
	s1 =	sadd.s32 s1, s30  }
0xc8: {  	s0 =	sor.u32 s4, s0;
	s1 =	sshll.u32 s1, $0x11  }
0xc9: {  	s0 =	sor.u32 s1, s0  }
0xca: {  	s0 =	sadd.s32 $0x8F2B, s0  }
0xcb: {  	[sflag:s0] =	ssyncadd.remote.s32 $0x1  }
0xcc: {  	_ =	sfence.sel $0xFFFF  }
0xcd: {  	[dreg:$0x0] =	wrdreg $0xFFFFFFFF;
	(pc) =	sbr.abs _section_cstart, $3  }
0xce: {  	[dreg:$0x1] =	wrdreg $0xFFFFFFFF  }
0xcf: {  	_ =	task.clear_ibuf [dreg:s22], $0x2FFFF;
	_ =	strace $0x9FFFFFFF  }
0xd0: {  	(tm) =	ssettm $0x7FFFFFFF  }
0xd1: {  	_ =	shalt  }
tec
execute0_lowered:
.L_overlay_start_1:
0x0: {  	(tag) =	ssettag $0x1  }
0x1: {  	s1 =	srdreg.scid  }
0x2: {  	s0 =	stileid.u32;
	s12 =	sand.u32 $0x1, s1  }
0x3: {  	s31 =	sshll.u32 s0, $0xA;
	s2 =	sshll.u32 s12, $0x9  }
0x4: {  	s11 =	sor.u32 s2, s31  }
0x5: {  	s10 =	rddreg [dreg:$0x0];
	s2 =	simm.s32 $0x0;
	s3 =	sshrl.u32 s11, $0x3  }
0x6: {  	s4 =	simm.s32 $0x5;
	[smem:$0x7FF] =	sst s2;
	s3 =	sadd.s32 s3, s10  }
0x7: {  	s1 =	rddreg [dreg:$0x1];
	_ =	strace $0x8000004A;
	s3 =	sadd.s32 $0x3000, s3  }
0x8: {  	[tilespmem:s2], [sflag:$0x5] =	stream.linear.gather [hbm4b:s3+s2], $0x200, $0x38;
	[tilespmem:$0x10200] =	vst v63  }
0x9: {  	_ =	swait.ge [sflag:s4], $0x200  }
0xa: {  	s6 =	simm.s32 $0x100;
	[sflag:s4] =	ssyncset.done $0x0  }
0xb: {  	s7 =	simm.s32 $0x200;
	s5 =	sadd.s32 $0x4800, s10;
	[sflag:s4] =	ssyncadd.s32 $0xFFFFFE00  }
0xc: {  	[tilespmem:s7], [sflag:$0x1] =	stream.indirect.gather [hbm4b:s5+s6], $0x80, s2, s6, $0xb8;
	[tilespmem:$0x10200] =	vst v63  }
0xd: {  	s8 =	simm.s32 $0x8200;
	s9 =	simm.s32 $0x1  }
0xe: {  	[tilespmem:s8], [sflag:$0x2] =	stream.indirect.gather [hbm4b:s5+s6], $0x80, s6, s6, $0xb8;
	[tilespmem:$0x10200] =	vst v63  }
0xf: {  	s14 =	ssub.s32 $0x2, s12;
	s11 =	sshll.u32 s11, $0x4;
	_ =	swait.ge [sflag:s9], $0x8000  }
0x10: {  	s15 =	sshrl.u32 s14, $0x1;
	s13 =	sadd.s32 s11, s10;
	[sflag:s9] =	ssyncset.done $0x0  }
0x11: {  	s11 =	simm.s32 $0x2;
	s10 =	sadd.s32 $0x424800, s13;
	[sflag:s9] =	ssyncadd.s32 $0xFFFF8000  }
0x12: {  	[hbm4b:s10+s2] =	stream.linear.scatter [tilespmem:s7], [sflag:$0x3], $0x8000, $0x38;
	[tilespmem:$0x10200] =	vst v63  }
0x13: {  	s14 =	ssub.s32 s14, s15;
	_ =	swait.ge [sflag:s11], $0x8000  }
0x14: {  	s15 =	smax.u32 s14, $0x1;
	s12 =	sadd.s32 $0x425800, s13;
	[sflag:s11] =	ssyncset.done $0x0  }
0x15: {  	s13 =	simm.s32 $0x3;
	p0 =	sne.s32 s15, $0x1;
	[sflag:s11] =	ssyncadd.s32 $0xFFFF8000  }
0x16: {  	[hbm4b:s12+s2] =	stream.linear.scatter [tilespmem:s8], [sflag:$0x4], $0x8000, $0x38;
	[tilespmem:$0x10200] =	vst v63  }
.Ltmp0:
0x17: {  	_ =	swait.ge [sflag:s13], $0x8000;
	(pc) =	sbr.rel @!p0 .LBB2_2-.Ltmp0, $4  }
0x18: {  	[sflag:s13] =	ssyncset.done $0x0  }
0x19: {  	s14 =	simm.s32 $0x4;
	[sflag:s13] =	ssyncadd.s32 $0xFFFF8000  }
0x1a: {  	_ =	swait.ge [sflag:s14], $0x8000  }
0x1b: {  	s15 =	sadd.s32 $0xFFFFFFFF, s15;
	[sflag:s14] =	ssyncset.done $0x0  }
.LBB2_1:
0x1c: {  	p0 =	sne.s32 s15, $0x1;
	s15 =	sadd.s32 $0xFFFFFFFF, s15;
	[sflag:s14] =	ssyncadd.s32 $0xFFFF8000  }
0x1d: {  	[tilespmem:s2], [sflag:$0x5] =	stream.linear.gather [hbm4b:s3+s2], $0x200, $0x38;
	[tilespmem:$0x10200] =	vst v63  }
0x1e: {  	_ =	swait.ge [sflag:s4], $0x200  }
0x1f: {  	[sflag:s4] =	ssyncset.done $0x0  }
0x20: {  	[sflag:s4] =	ssyncadd.s32 $0xFFFFFE00  }
0x21: {  	[tilespmem:s7], [sflag:$0x1] =	stream.indirect.gather [hbm4b:s5+s6], $0x80, s2, s6, $0xb8;
	[tilespmem:$0x10200] =	vst v63  }
0x22: {  	_ = 	snop  }
0x23: {  	[tilespmem:s8], [sflag:$0x2] =	stream.indirect.gather [hbm4b:s5+s6], $0x80, s6, s6, $0xb8;
	[tilespmem:$0x10200] =	vst v63  }
0x24: {  	_ =	swait.ge [sflag:s9], $0x8000  }
0x25: {  	[sflag:s9] =	ssyncset.done $0x0  }
0x26: {  	[sflag:s9] =	ssyncadd.s32 $0xFFFF8000  }
0x27: {  	[hbm4b:s10+s2] =	stream.linear.scatter [tilespmem:s7], [sflag:$0x3], $0x8000, $0x38;
	[tilespmem:$0x10200] =	vst v63  }
0x28: {  	_ =	swait.ge [sflag:s11], $0x8000  }
0x29: {  	[sflag:s11] =	ssyncset.done $0x0  }
0x2a: {  	[sflag:s11] =	ssyncadd.s32 $0xFFFF8000  }
0x2b: {  	[hbm4b:s12+s2] =	stream.linear.scatter [tilespmem:s8], [sflag:$0x4], $0x8000, $0x38;
	[tilespmem:$0x10200] =	vst v63  }
.Ltmp1:
0x2c: {  	_ =	swait.ge [sflag:s13], $0x8000;
	(pc) =	sbr.rel @p0 .LBB2_1-.Ltmp1, $4  }
0x2d: {  	[sflag:s13] =	ssyncset.done $0x0  }
0x2e: {  	[sflag:s13] =	ssyncadd.s32 $0xFFFF8000  }
0x2f: {  	_ =	swait.ge [sflag:s14], $0x8000  }
0x30: {  	[sflag:s14] =	ssyncset.done $0x0  }
.LBB2_2:
0x31: {  	[sflag:s14] =	ssyncadd.s32 $0xFFFF8000  }
0x32: {  	_ =	sfence.sel $0x180000  }
0x33: {  	[bflag:$0x0] =	sbarrier.arrive $0xFFFF  }
0x34: {  	p0 =	sne.s32 s0, $0x0;
	_ =	strace $0x9000004A  }
0x35: {  	s0 =	sadd.s32 @!p0 $0x100000, s1;
	[bflag:$0x2] =	sbarrier.arrive $0xFFFF  }
0x36: {  	[sflag:s0] =	ssyncadd.tile.s32 @!p0 $0x1;
	_ =	shalt  }
.Lfunc_end2:
_tile_overlayer_lowered:
.L_overlay_start_2:
0x37: {  	(tag) =	ssettag $0x2  }
0x38: {  	s0 =	rddreg [dreg:$0x0];
	s2 =	stileid.u32  }
0x39: {  	s1 =	rddreg [dreg:$0x1];
	p0 =	sne.s32 s2, $0x0  }
0x3a: {  	s3 =	rddreg [dreg:$0x2];
	[bflag:$0x3] =	sbarrier.arrive $0xFFFF;
	s2 =	simm.s32 @!p0 $0x1C05  }
0x3b: {  	[timem:s3], [sflag:s2] =	dma.local @!p0 [hbm:s0], s1  }
0x3c: {  	s0 =	simm.s32 @!p0 $0x5  }
0x3d: {  	_ =	swait.ge @!p0 [sflag:s0], s1  }
0x3e: {  	s1 =	ssub.s32 @!p0 $0x0, s1;
	[sflag:s0] =	ssyncset.done @!p0 $0x0  }
0x3f: {  	[sflag:s0] =	ssyncadd.s32 @!p0 s1  }
0x40: {  	[bflag:$0x3] =	sbarrier.arrive $0xFFFF  }
0x41: {  	_ =	shalt  }

// kernel: kernel.20.cloned.1.call-start
scs
__scs_entry_jumppad:
0x0: {  	(pc) =	sbr.rel $0x88, $3  }
0x1: {  	(tag) =	ssettag $0x0;
	lr =	simm.s32 $0x1  }
0x2: {  	[smem:$0x3F9B] =	sst lr;
	_ =	strace $0xD0000000  }
0x3: {  	_ = 	snop  }
0x4: {  	_ = 	snop  }
0x5: {  	_ = 	snop  }
0x6: {  	_ = 	snop  }
0x7: {  	_ = 	snop  }
__scs_overlays_trampoline_lowered:
0x8: {  	[smem:$0x3FAA] =	sst s0  }
0x9: {  	[smem:$0x3FAB] =	sst s1  }
0xa: {  	[smem:$0x3FAC] =	sst s2  }
0xb: {  	[smem:$0x3FAD] =	sst s3  }
0xc: {  	[smem:$0x3FAE] =	sst s4  }
0xd: {  	[smem:$0x3FAF] =	sst s5  }
0xe: {  	[smem:$0x3FB0] =	sst s6  }
0xf: {  	[smem:$0x3FB1] =	sst s7  }
0x10: {  	[smem:$0x3FB2] =	sst s8  }
0x11: {  	[smem:$0x3FB3] =	sst s9;
	s0 =	simm.s32 @!p0 $0x0  }
0x12: {  	s1 =	sld [smem:$0x3F99];
	s0 =	simm.s32 @p0 $0x1  }
0x13: {  	[smem:$0x3FB4] =	sst s0;
	s0 =	simm.s32 @!p1 $0x0  }
0x14: {  	s2 =	sld [smem:$0x3F98];
	s0 =	simm.s32 @p1 $0x1  }
0x15: {  	[smem:$0x3FB5] =	sst s0;
	s0 =	simm.s32 @!p2 $0x0  }
0x16: {  	s3 =	sld [smem:$0x3FDB];
	s0 =	simm.s32 @p2 $0x1  }
0x17: {  	s4 =	simm.s32 $0x1BF5;
	[smem:$0x3FB7] =	sst s0  }
0x18: {  	s0 =	sld [smem:$0x3F9A];
	_ =	swait.ge [sflag:s4], $0x0  }
0x19: {  	s7 =	sld [smem:$0x3F9B]  }
0x1a: {  	s8 =	sadd.s32 $0xFFFFE003, lr  }
0x1b: {  	s9 =	sadd.s32 $0xFFFFFEF7, lr;
	s5 =	simm.s32 $0xFFFFFFFF;
	p2 =	slt.u32 s8, $0xFFFFF086  }
0x1c: {  	p1 =	slt.u32 s9, $0xF7A;
	s5 =	simm.s32 @!p2 $0x0  }
0x1d: {  	s5 =	simm.s32 @p1 $0x1;
	p0 =	seq.s32 s7, s2  }
0x1e: {  	s7 =	smul.u32 @!p0 $0xF7A, s2;
	p2 =	seq.s32 @!p0 s5, $0x0  }
0x1f: {  	s9 =	smul.u32 $0xF7A, s1;
	s8 =	simm.s32 @!p0 $0x1BF5;
	p2 =	por !p2, p0  }
0x20: {  	[sflag:s8] =	ssyncset.s32 @!p0 $0xFFFFF086;
	s6 =	sadd.s32 @!p0 s3, s7;
	s7 =	simm.s32 @!p0 $0x108  }
0x21: {  	s3 =	sadd.s32 s3, s9;
	s6 =	sadd.s32 @!p0 $0x88, s6;
	s7 =	simm.s32 @p2 $0x1082  }
0x22: {  	[simem:s7], [sflag:s8] =	dma.local @!p0 [hbm:s6], $0xF7A  }
0x23: {  	s9 =	sor.u32 $0xD0000000, s2;
	s6 =	simm.s32 $0x108;
	_ =	swait.ge @!p0 [sflag:s8], $0x0  }
0x24: {  	s3 =	sadd.s32 $0x88, s3;
	s6 =	simm.s32 @!p1 $0x1082;
	[sflag:s4] =	ssyncset.s32 $0xFFFFF086  }
0x25: {  	[simem:s6], [sflag:s4] =	dma.local [hbm:s3], $0xF7A  }
0x26: {  	[smem:$0x3F9B] =	sst s1;
	(tag) =	ssettag s2;
	_ =	strace s9  }
0x27: {  	s1 =	sld [smem:$0x3FAB]  }
0x28: {  	s2 =	sld [smem:$0x3FAC]  }
0x29: {  	s4 =	sld [smem:$0x3FAE]  }
0x2a: {  	p0 =	seq.s32 s5, $0x0;
	s5 =	sld [smem:$0x3FAF]  }
0x2b: {  	s6 =	sld [smem:$0x3FB0]  }
0x2c: {  	s7 =	sld [smem:$0x3FB1]  }
0x2d: {  	s3 =	simm.s32 $0x108;
	s8 =	sld [smem:$0x3FB2]  }
0x2e: {  	s3 =	simm.s32 @!p0 $0x1082;
	s9 =	sld [smem:$0x3FB3]  }
0x2f: {  	lr =	sadd.s32 s0, s3;
	s0 =	sld [smem:$0x3FAA]  }
0x30: {  	s3 =	sld [smem:$0x3FAD]  }
0x31: {  	[smem:$0x3FB6] =	sst s10  }
0x32: {  	s10 =	sld [smem:$0x3FB4];
	_ =	sdelay $0x3  }
0x33: {  	p0 =	seq.s32 s10, $0x1;
	s10 =	sld [smem:$0x3FB6];
	_ =	sdelay $0x3  }
0x34: {  	[smem:$0x3FB6] =	sst s10  }
0x35: {  	s10 =	sld [smem:$0x3FB5];
	_ =	sdelay $0x3  }
0x36: {  	p1 =	seq.s32 s10, $0x1;
	s10 =	sld [smem:$0x3FB6];
	_ =	sdelay $0x3  }
0x37: {  	[smem:$0x3FB6] =	sst s10  }
0x38: {  	s10 =	sld [smem:$0x3FB7]  }
0x39: {  	_ = 	snop;
	(pc) =	sbr.ind lr, $3  }
0x3a: {  	_ = 	snop  }
0x3b: {  	_ = 	snop  }
0x3c: {  	p2 =	seq.s32 s10, $0x1;
	s10 =	sld [smem:$0x3FB6]  }
0x3d: {  	_ =	shalt  }
0x3e: {  	_ =	shalt  }
0x3f: {  	_ =	shalt  }
0x40: {  	_ =	shalt  }
0x41: {  	_ =	shalt  }
0x42: {  	_ =	shalt  }
0x43: {  	_ =	shalt  }
0x44: {  	_ =	shalt  }
0x45: {  	_ =	shalt  }
0x46: {  	_ =	shalt  }
0x47: {  	_ =	shalt  }
0x48: {  	_ =	shalt  }
0x49: {  	_ =	shalt  }
0x4a: {  	_ =	shalt  }
0x4b: {  	_ =	shalt  }
0x4c: {  	_ =	shalt  }
0x4d: {  	_ =	shalt  }
0x4e: {  	_ =	shalt  }
0x4f: {  	_ =	shalt  }
0x50: {  	_ =	shalt  }
0x51: {  	_ =	shalt  }
0x52: {  	_ =	shalt  }
0x53: {  	_ =	shalt  }
0x54: {  	_ =	shalt  }
0x55: {  	_ =	shalt  }
0x56: {  	_ =	shalt  }
0x57: {  	_ =	shalt  }
0x58: {  	_ =	shalt  }
0x59: {  	_ =	shalt  }
0x5a: {  	_ =	shalt  }
0x5b: {  	_ =	shalt  }
0x5c: {  	_ =	shalt  }
0x5d: {  	_ =	shalt  }
0x5e: {  	_ =	shalt  }
0x5f: {  	_ =	shalt  }
0x60: {  	_ =	shalt  }
0x61: {  	_ =	shalt  }
0x62: {  	_ =	shalt  }
0x63: {  	_ =	shalt  }
0x64: {  	_ =	shalt  }
0x65: {  	_ =	shalt  }
0x66: {  	_ =	shalt  }
0x67: {  	_ =	shalt  }
0x68: {  	_ =	shalt  }
0x69: {  	_ =	shalt  }
0x6a: {  	_ =	shalt  }
0x6b: {  	_ =	shalt  }
0x6c: {  	_ =	shalt  }
0x6d: {  	_ =	shalt  }
0x6e: {  	_ =	shalt  }
0x6f: {  	_ =	shalt  }
0x70: {  	_ =	shalt  }
0x71: {  	_ =	shalt  }
0x72: {  	_ =	shalt  }
0x73: {  	_ =	shalt  }
0x74: {  	_ =	shalt  }
0x75: {  	_ =	shalt  }
0x76: {  	_ =	shalt  }
0x77: {  	_ =	shalt  }
0x78: {  	_ =	shalt  }
0x79: {  	_ =	shalt  }
0x7a: {  	_ =	shalt  }
0x7b: {  	_ =	shalt  }
0x7c: {  	_ =	shalt  }
0x7d: {  	_ =	shalt  }
0x7e: {  	_ =	shalt  }
0x7f: {  	_ =	shalt  }
0x80: {  	_ =	shalt  }
0x81: {  	_ =	shalt  }
0x82: {  	_ =	shalt  }
0x83: {  	_ =	shalt  }
0x84: {  	_ =	shalt  }
0x85: {  	_ =	shalt  }
0x86: {  	_ =	shalt  }
0x87: {  	_ =	shalt  }
.Lfunc_end0:
.L_simem_size_0:
called_computation.3_lowered:
.L_overlay_start_0:
0x88: {  	s2 =	sld [smem:$0x3FD9]  }
0x89: {  	s3 =	sld [smem:$0x3FFE];
	_ =	sdelay $0x1  }
0x8a: {  	s1 =	srdreg.scid  }
0x8b: {  	s0 =	sand.u32 $0x1, s1  }
0x8c: {  	s16 =	sshll.u32 s0, $0xA;
	s2 =	sadd.s32 s3, s2  }
0x8d: {  	s2 =	sadd.s32 s2, s16  }
0x8e: {  	[smem:$0x3FC2] =	sst s2  }
0x8f: {  	_ = 	snop  }
0x90: {  	(tm) =	ssettm $0x1  }
0x91: {  	s17 =	sld [smem:$0x3FFB];
	_ =	sdelay $0x3  }
0x92: {  	_ =	strace s17  }
0x93: {  	s2 =	sld [smem:$0x3FFC];
	_ =	sdelay $0x3  }
0x94: {  	_ =	strace s2  }
0x95: {  	s2 =	sld [smem:$0x3FFD];
	_ =	sdelay $0x3  }
0x96: {  	_ =	strace s2  }
0x97: {  	_ =	strace $0x8FFFFFFF  }
0x98: {  	s18 =	sld [smem:$0x3FDB];
	_ =	sdelay $0x1  }
0x99: {  	s19 =	simm.s32 $_scs_section_size  }
0x9a: {  	s4 =	simm.s32 $_size__tile_overlayer_lowered;
	s5 =	simm.s32 $_tile_overlayer_lowered  }
0x9b: {  	s22 =	simm.s32 $0x1BFF;
	s21 =	sshll.u32 s5, $0x1;
	s2 =	sadd.s32 s19, s18  }
0x9c: {  	s6 =	simm.s32 $0x0;
	s20 =	sshll.u32 s4, $0x1;
	s4 =	sadd.s32 s21, s2  }
0x9d: {  	[timem:s6], [sflag:s22] =	dma.local [hbm:s4], s20  }
0x9e: {  	_ =	swait.ge [sflag:s22], s20  }
0x9f: {  	s3 =	ssub.s32 $0x0, s20;
	[sflag:s22] =	ssyncset.done $0x0  }
0xa0: {  	[sflag:s22] =	ssyncadd.s32 s3;
	_ =	sdelay $0x1  }
0xa1: {  	s23 =	simm.s32 $0x1B8B  }
0xa2: {  	_ =	swait.ge [sflag:s23], $0x1  }
0xa3: {  	[sflag:s23] =	ssyncset.done $0x0  }
0xa4: {  	s25 =	simm.s32 $0x1B8E;
	s24 =	sld [smem:$0x3FFE];
	[sflag:s23] =	ssyncadd.s32 $0xFFFFFFFF  }
0xa5: {  	s26 =	simm.s32 $execute0_lowered;
	[smem:$0x3FD2] =	sst s25  }
0xa6: {  	s4 =	sshll.u32 s26, $0x1;
	_ =	strace $0x80000046;
	[dreg:$0x1] =	wrdreg $0xFFFFFFFF  }
0xa7: {  	s28 =	simm.s32 $_size_execute0_lowered;
	s2 =	sadd.s32 s2, s4;
	[dreg:$0x0] =	wrdreg $0x0  }
0xa8: {  	s4 =	sshll.u32 s28, $0x1;
	[dreg:$0x2] =	wrdreg s2  }
0xa9: {  	[dreg:$0x3] =	wrdreg s4  }
0xaa: {  	[dreg:$0x4] =	wrdreg $0xC0  }
0xab: {  	_ =	task [dreg:s6], $0x5FFFF  }
0xac: {  	[dreg:$0x1] =	wrdreg $0xFFFFFFFF  }
0xad: {  	[dreg:$0x0] =	wrdreg $0x60  }
0xae: {  	[dreg:$0x2] =	wrdreg s24  }
0xaf: {  	[dreg:$0x3] =	wrdreg $0xC  }
0xb0: {  	_ =	task.clear_ibuf [dreg:s6], $0x4FFFF;
	_ =	strace $0x90000046  }
0xb1: {  	s29 =	simm.s32 $0xC;
	_ =	strace $0x80000048  }
0xb2: {  	_ =	swait.ge [sflag:s29], $0x1  }
0xb3: {  	[sflag:s29] =	ssyncadd.s32 $0xFFFFFFFF  }
0xb4: {  	_ =	strace $0x90000048  }
0xb5: {  	_ =	sfence  }
0xb6: {  	s30 =	sld [smem:$0x0];
	_ =	sdelay $0x2  }
0xb7: {  	s31 =	sshll.u32 s1, $0xD;
	s1 =	sshrl.u32 s1, $0x2  }
0xb8: {  	s3 =	sand.u32 $0x4000, s31;
	s1 =	sadd.s32 s1, s30  }
0xb9: {  	s0 =	sor.u32 s3, s0;
	s1 =	sshll.u32 s1, $0x11  }
0xba: {  	s0 =	sor.u32 s1, s0  }
0xbb: {  	s0 =	sadd.s32 $0x8F2B, s0  }
0xbc: {  	[sflag:s0] =	ssyncadd.remote.s32 $0x1  }
0xbd: {  	_ =	sfence.sel $0xFFFF  }
0xbe: {  	[dreg:$0x0] =	wrdreg $0xFFFFFFFF;
	(pc) =	sbr.abs _section_cstart, $3  }
0xbf: {  	[dreg:$0x1] =	wrdreg $0xFFFFFFFF  }
0xc0: {  	_ =	task.clear_ibuf [dreg:s6], $0x2FFFF;
	_ =	strace $0x9FFFFFFF  }
0xc1: {  	(tm) =	ssettm $0x7FFFFFFF  }
tec
execute0_lowered:
.L_overlay_start_1:
0x0: {  	(tag) =	ssettag $0x1  }
0x1: {  	s1 =	srdreg.scid  }
0x2: {  	s0 =	stileid.u32;
	s12 =	sand.u32 $0x1, s1  }
0x3: {  	s31 =	sshll.u32 s0, $0xA;
	s2 =	sshll.u32 s12, $0x9  }
0x4: {  	s11 =	sor.u32 s2, s31  }
0x5: {  	s10 =	rddreg [dreg:$0x0];
	s2 =	simm.s32 $0x0;
	s3 =	sshrl.u32 s11, $0x3  }
0x6: {  	s4 =	simm.s32 $0x5;
	[smem:$0x7FF] =	sst s2;
	s3 =	sadd.s32 s3, s10  }
0x7: {  	s1 =	rddreg [dreg:$0x1];
	_ =	strace $0x80000047;
	s3 =	sadd.s32 $0x2800, s3  }
0x8: {  	[tilespmem:s2], [sflag:$0x5] =	stream.linear.gather [hbm4b:s3+s2], $0x200, $0x38;
	[tilespmem:$0x10200] =	vst v63  }
0x9: {  	_ =	swait.ge [sflag:s4], $0x200  }
0xa: {  	s6 =	simm.s32 $0x100;
	[sflag:s4] =	ssyncset.done $0x0  }
0xb: {  	s7 =	simm.s32 $0x200;
	s5 =	sadd.s32 $0x4800, s10;
	[sflag:s4] =	ssyncadd.s32 $0xFFFFFE00  }
0xc: {  	[tilespmem:s7], [sflag:$0x1] =	stream.indirect.gather [hbm4b:s5+s6], $0x80, s2, s6, $0xb8;
	[tilespmem:$0x10200] =	vst v63  }
0xd: {  	s8 =	simm.s32 $0x8200;
	s9 =	simm.s32 $0x1  }
0xe: {  	[tilespmem:s8], [sflag:$0x2] =	stream.indirect.gather [hbm4b:s5+s6], $0x80, s6, s6, $0xb8;
	[tilespmem:$0x10200] =	vst v63  }
0xf: {  	s14 =	ssub.s32 $0x2, s12;
	s11 =	sshll.u32 s11, $0x4;
	_ =	swait.ge [sflag:s9], $0x8000  }
0x10: {  	s15 =	sshrl.u32 s14, $0x1;
	s13 =	sadd.s32 s11, s10;
	[sflag:s9] =	ssyncset.done $0x0  }
0x11: {  	s11 =	simm.s32 $0x2;
	s10 =	sadd.s32 $0x3E4800, s13;
	[sflag:s9] =	ssyncadd.s32 $0xFFFF8000  }
0x12: {  	[hbm4b:s10+s2] =	stream.linear.scatter [tilespmem:s7], [sflag:$0x3], $0x8000, $0x38;
	[tilespmem:$0x10200] =	vst v63  }
0x13: {  	s14 =	ssub.s32 s14, s15;
	_ =	swait.ge [sflag:s11], $0x8000  }
0x14: {  	s15 =	smax.u32 s14, $0x1;
	s12 =	sadd.s32 $0x3E5800, s13;
	[sflag:s11] =	ssyncset.done $0x0  }
0x15: {  	s13 =	simm.s32 $0x3;
	p0 =	sne.s32 s15, $0x1;
	[sflag:s11] =	ssyncadd.s32 $0xFFFF8000  }
0x16: {  	[hbm4b:s12+s2] =	stream.linear.scatter [tilespmem:s8], [sflag:$0x4], $0x8000, $0x38;
	[tilespmem:$0x10200] =	vst v63  }
.Ltmp0:
0x17: {  	_ =	swait.ge [sflag:s13], $0x8000;
	(pc) =	sbr.rel @!p0 .LBB2_2-.Ltmp0, $4  }
0x18: {  	[sflag:s13] =	ssyncset.done $0x0  }
0x19: {  	s14 =	simm.s32 $0x4;
	[sflag:s13] =	ssyncadd.s32 $0xFFFF8000  }
0x1a: {  	_ =	swait.ge [sflag:s14], $0x8000  }
0x1b: {  	s15 =	sadd.s32 $0xFFFFFFFF, s15;
	[sflag:s14] =	ssyncset.done $0x0  }
.LBB2_1:
0x1c: {  	p0 =	sne.s32 s15, $0x1;
	s15 =	sadd.s32 $0xFFFFFFFF, s15;
	[sflag:s14] =	ssyncadd.s32 $0xFFFF8000  }
0x1d: {  	[tilespmem:s2], [sflag:$0x5] =	stream.linear.gather [hbm4b:s3+s2], $0x200, $0x38;
	[tilespmem:$0x10200] =	vst v63  }
0x1e: {  	_ =	swait.ge [sflag:s4], $0x200  }
0x1f: {  	[sflag:s4] =	ssyncset.done $0x0  }
0x20: {  	[sflag:s4] =	ssyncadd.s32 $0xFFFFFE00  }
0x21: {  	[tilespmem:s7], [sflag:$0x1] =	stream.indirect.gather [hbm4b:s5+s6], $0x80, s2, s6, $0xb8;
	[tilespmem:$0x10200] =	vst v63  }
0x22: {  	_ = 	snop  }
0x23: {  	[tilespmem:s8], [sflag:$0x2] =	stream.indirect.gather [hbm4b:s5+s6], $0x80, s6, s6, $0xb8;
	[tilespmem:$0x10200] =	vst v63  }
0x24: {  	_ =	swait.ge [sflag:s9], $0x8000  }
0x25: {  	[sflag:s9] =	ssyncset.done $0x0  }
0x26: {  	[sflag:s9] =	ssyncadd.s32 $0xFFFF8000  }
0x27: {  	[hbm4b:s10+s2] =	stream.linear.scatter [tilespmem:s7], [sflag:$0x3], $0x8000, $0x38;
	[tilespmem:$0x10200] =	vst v63  }
0x28: {  	_ =	swait.ge [sflag:s11], $0x8000  }
0x29: {  	[sflag:s11] =	ssyncset.done $0x0  }
0x2a: {  	[sflag:s11] =	ssyncadd.s32 $0xFFFF8000  }
0x2b: {  	[hbm4b:s12+s2] =	stream.linear.scatter [tilespmem:s8], [sflag:$0x4], $0x8000, $0x38;
	[tilespmem:$0x10200] =	vst v63  }
.Ltmp1:
0x2c: {  	_ =	swait.ge [sflag:s13], $0x8000;
	(pc) =	sbr.rel @p0 .LBB2_1-.Ltmp1, $4  }
0x2d: {  	[sflag:s13] =	ssyncset.done $0x0  }
0x2e: {  	[sflag:s13] =	ssyncadd.s32 $0xFFFF8000  }
0x2f: {  	_ =	swait.ge [sflag:s14], $0x8000  }
0x30: {  	[sflag:s14] =	ssyncset.done $0x0  }
.LBB2_2:
0x31: {  	[sflag:s14] =	ssyncadd.s32 $0xFFFF8000  }
0x32: {  	_ =	sfence.sel $0x180000  }
0x33: {  	[bflag:$0x0] =	sbarrier.arrive $0xFFFF  }
0x34: {  	p0 =	sne.s32 s0, $0x0;
	_ =	strace $0x90000047  }
0x35: {  	s0 =	sadd.s32 @!p0 $0x100000, s1;
	[bflag:$0x2] =	sbarrier.arrive $0xFFFF  }
0x36: {  	[sflag:s0] =	ssyncadd.tile.s32 @!p0 $0x1;
	_ =	shalt  }
.Lfunc_end2:
_tile_overlayer_lowered:
.L_overlay_start_2:
0x37: {  	(tag) =	ssettag $0x2  }
0x38: {  	s0 =	rddreg [dreg:$0x0];
	s2 =	stileid.u32  }
0x39: {  	s1 =	rddreg [dreg:$0x1];
	p0 =	sne.s32 s2, $0x0  }
0x3a: {  	s3 =	rddreg [dreg:$0x2];
	[bflag:$0x3] =	sbarrier.arrive $0xFFFF;
	s2 =	simm.s32 @!p0 $0x1C05  }
0x3b: {  	[timem:s3], [sflag:s2] =	dma.local @!p0 [hbm:s0], s1  }
0x3c: {  	s0 =	simm.s32 @!p0 $0x5  }
0x3d: {  	_ =	swait.ge @!p0 [sflag:s0], s1  }
0x3e: {  	s1 =	ssub.s32 @!p0 $0x0, s1;
	[sflag:s0] =	ssyncset.done @!p0 $0x0  }
0x3f: {  	[sflag:s0] =	ssyncadd.s32 @!p0 s1  }
0x40: {  	[bflag:$0x3] =	sbarrier.arrive $0xFFFF  }
0x41: {  	_ =	shalt  }

</sc_bundles>
